<compile_context>
chip_gen: v7x
topology: tpu7x:2x2x1
jax: 0.10.2.dev20260603
libtpu: 0.0.44.dev20260713+nightly
codegen_flags: <defaults>
</compile_context>

<pallas_src>
import functools

import jax
import jax.numpy as jnp
from jax import lax
from jax.experimental import pallas as pl
from jax.experimental.pallas import tpu as pltpu
from jax.experimental.pallas import tpu_sc as plsc

N = 10000
D = 128
E = 320000

NC = 2
NS = 16
L = 128

NP = 10112
RPT = NP // NS
CH = 79
EPT = CH * L
EPAD = EPT * NC * NS
DUMMY = N

_MESH = plsc.VectorSubcoreMesh(
    core_axis_name="c", subcore_axis_name="s", num_cores=NC, num_subcores=NS
)


def _agg_body(x_hbm, src_hbm, dst_hbm, zrow_hbm, zdeg_hbm,
              acc_out, deg_out,
              src_v, dst_v, rows_v, ones_v, degtmp_v, acc_s, deg_s, sem,
              sem2):
    c = lax.axis_index("c")
    s = lax.axis_index("s")
    row0 = s * RPT

    pltpu.sync_copy(src_hbm.at[c, s], src_v)
    pltpu.sync_copy(dst_hbm.at[c, s], dst_v)

    pltpu.sync_copy(zrow_hbm, acc_s.at[pl.ds(row0, RPT)])
    pltpu.sync_copy(zdeg_hbm, degtmp_v)
    pltpu.sync_copy(degtmp_v, deg_s.at[pl.ds(row0, RPT)])

    for i in range(8):
        ones_v[pl.ds(i * 16, 16)] = jnp.full((16,), 1.0, jnp.float32)

    plsc.subcore_barrier()

    def chunk(j, carry):
        pltpu.async_copy(x_hbm.at[src_v.at[j]], rows_v, sem).wait()
        pltpu.async_copy(ones_v, deg_s.at[dst_v.at[j]], sem2, add=True)
        pltpu.sync_copy(rows_v, acc_s.at[dst_v.at[j]], add=True)
        return carry

    lax.fori_loop(0, CH, chunk, 0)

    def drain(j, carry):
        pltpu.make_async_copy(ones_v, deg_s.at[dst_v.at[j]], sem2).wait()
        return carry

    lax.fori_loop(0, CH, drain, 0)

    plsc.subcore_barrier()

    pltpu.sync_copy(acc_s.at[pl.ds(row0, RPT)], acc_out.at[c, pl.ds(row0, RPT)])
    pltpu.sync_copy(deg_s.at[pl.ds(row0, RPT)], degtmp_v)
    pltpu.sync_copy(degtmp_v, deg_out.at[pl.ds(c * NP + row0, RPT)])


_agg = pl.kernel(
    _agg_body,
    out_type=(
        jax.ShapeDtypeStruct((NC, NP, D), jnp.float32),
        jax.ShapeDtypeStruct((NC * NP,), jnp.float32),
    ),
    mesh=_MESH,
    scratch_types=(
        pltpu.VMEM((CH, L), jnp.int32),
        pltpu.VMEM((CH, L), jnp.int32),
        pltpu.VMEM((L, D), jnp.float32),
        pltpu.VMEM((L,), jnp.float32),
        pltpu.VMEM((RPT,), jnp.float32),
        pltpu.VMEM_SHARED((NP, D), jnp.float32),
        pltpu.VMEM_SHARED((NP,), jnp.float32),
        pltpu.SemaphoreType.DMA,
        pltpu.SemaphoreType.DMA,
    ),
)


def _warm_body(z_hbm, o_hbm, buf_v):
    c = lax.axis_index("c")
    pltpu.sync_copy(z_hbm, buf_v)
    pltpu.sync_copy(buf_v, o_hbm.at[pl.ds(c * RPT, RPT)])


_warm = pl.kernel(
    _warm_body,
    out_type=jax.ShapeDtypeStruct((NC * RPT,), jnp.float32),
    mesh=_MESH,
    scratch_types=(pltpu.VMEM((RPT,), jnp.float32),),
)


def _dense_body(relu, x_ref, acc_ref, deg_ref, ws_ref, bs_ref, wn_ref, bn_ref,
                o_ref):
    deg = jnp.maximum(deg_ref[0] + deg_ref[1], 1.0)
    h_neigh = (acc_ref[0] + acc_ref[1]) / deg[:, None]
    out = (
        jnp.dot(x_ref[...], ws_ref[...], preferred_element_type=jnp.float32)
        + jnp.dot(h_neigh, wn_ref[...], preferred_element_type=jnp.float32)
        + bs_ref[...] + bn_ref[...]
    )
    if relu:
        out = jnp.maximum(out, 0.0)
    o_ref[...] = out


def _dense(x_pad, acc, deg, w_self, b_self, w_neigh, b_neigh, relu):
    return pl.pallas_call(
        functools.partial(_dense_body, relu),
        out_shape=jax.ShapeDtypeStruct((NP, D), jnp.float32),
    )(x_pad, acc, deg, w_self, b_self, w_neigh, b_neigh)


def _prep_edges(edge_index):
    src = jnp.concatenate(
        [edge_index[0], jnp.zeros((EPAD - E,), jnp.int32)])
    dst = jnp.concatenate(
        [edge_index[1], jnp.full((EPAD - E,), DUMMY, jnp.int32)])
    return src.reshape(NC, NS, CH, L), dst.reshape(NC, NS, CH, L)


def kernel(x, edge_index1, edge_index2, W1_self, b1_self, W1_neigh, b1_neigh,
           W2_self, b2_self, W2_neigh, b2_neigh):
    x_pad = jnp.zeros((NP, D), jnp.float32).at[:N].set(x)
    s1, d1 = _prep_edges(edge_index1)
    s2, d2 = _prep_edges(edge_index2)
    zrow = jnp.zeros((RPT, D), jnp.float32)
    zdeg = jnp.zeros((RPT,), jnp.float32)

    acc1, deg1 = _agg(x, s1, d1, zrow, zdeg)
    h = _dense(x_pad, acc1, deg1.reshape(NC, NP), W1_self, b1_self,
               W1_neigh, b1_neigh, True)
    acc2, deg2 = _agg(h, s2, d2, zrow, zdeg)
    out = _dense(h, acc2, deg2.reshape(NC, NP), W2_self, b2_self,
                 W2_neigh, b2_neigh, False)
    return out[:N]

# --- scband reference (transcript-rebuilt; emitter-appended) ---
"""Pipeline reference for scband-graph-sage-14542759264322 (READ-ONLY COPY).

The authoritative reference and input builder live on the scoring server;
editing this copy changes nothing except your own understanding.
"""

import jax, jax.numpy as jnp
import numpy as np

N = 10000
E = 320000
D_IN = 128
D_H = 128


def setup_inputs(seed: int = 0) -> dict:
    key = jax.random.key(seed)
    ks = jax.random.split(key, 12)
    x = jax.random.normal(ks[0], (N, D_IN), dtype=jnp.float32)
    edge_index1 = jax.random.randint(ks[1], (2, E), 0, N, dtype=jnp.int32)
    edge_index2 = jax.random.randint(ks[2], (2, E), 0, N, dtype=jnp.int32)
    s_in = 1.0 / np.sqrt(D_IN)
    s_h = 1.0 / np.sqrt(D_H)
    W1_self = jax.random.uniform(ks[3], (D_IN, D_H), jnp.float32, -s_in, s_in)
    b1_self = jax.random.uniform(ks[4], (D_H,), jnp.float32, -s_in, s_in)
    W1_neigh = jax.random.uniform(ks[5], (D_IN, D_H), jnp.float32, -s_in, s_in)
    b1_neigh = jax.random.uniform(ks[6], (D_H,), jnp.float32, -s_in, s_in)
    W2_self = jax.random.uniform(ks[7], (D_H, D_H), jnp.float32, -s_h, s_h)
    b2_self = jax.random.uniform(ks[8], (D_H,), jnp.float32, -s_h, s_h)
    W2_neigh = jax.random.uniform(ks[9], (D_H, D_H), jnp.float32, -s_h, s_h)
    b2_neigh = jax.random.uniform(ks[10], (D_H,), jnp.float32, -s_h, s_h)
    return {
        "x": x,
        "edge_index1": edge_index1,
        "edge_index2": edge_index2,
        "W1_self": W1_self, "b1_self": b1_self,
        "W1_neigh": W1_neigh, "b1_neigh": b1_neigh,
        "W2_self": W2_self, "b2_self": b2_self,
        "W2_neigh": W2_neigh, "b2_neigh": b2_neigh,
    }


def _sage_conv(h_src, h_dst, edge_index, W_self, b_self, W_neigh, b_neigh, num_dst):
    # DGL SAGEConv with aggregator 'mean':
    #   h_neigh = mean_{u in N(v)} h_src[u]
    #   out = fc_self(h_dst) + fc_neigh(h_neigh)
    src = edge_index[0]
    dst = edge_index[1]
    msg = h_src[src]                                   # gather [E, d]
    summed = jax.ops.segment_sum(msg, dst, num_segments=num_dst)  # scatter-add
    deg = jax.ops.segment_sum(jnp.ones((edge_index.shape[1],), dtype=h_src.dtype), dst, num_segments=num_dst)
    h_neigh = summed / jnp.maximum(deg, 1.0)[:, None]
    return (h_dst @ W_self + b_self) + (h_neigh @ W_neigh + b_neigh)


def reference(x, edge_index1, edge_index2, W1_self, b1_self, W1_neigh, b1_neigh, W2_self, b2_self, W2_neigh, b2_neigh):
    # MFG block 1: num_dst_nodes = N (full-graph blocks)
    h_dst = x[:N]
    h = _sage_conv(x.astype(jnp.float32), h_dst.astype(jnp.float32), edge_index1,
                   W1_self, b1_self, W1_neigh, b1_neigh, N)
    h = jax.nn.relu(h)
    # MFG block 2
    h_dst = h[:N]
    h = _sage_conv(h, h_dst, edge_index2, W2_self, b2_self, W2_neigh, b2_neigh, N)
    return h

if __name__ == "__main__":
    import jax
    _d = setup_inputs()
    print(jax.jit(kernel)(*tuple(_d.values())))

</pallas_src>

<mosaic_0001>
#map = affine_map<(d0, d1) -> (0, 0)>
#map1 = affine_map<(d0, d1) -> (0, 0, 0, 0)>
#map2 = affine_map<(d0, d1) -> (0)>
#map3 = affine_map<(d0, d1) -> (0, 0, 0)>
module attributes {stable_mosaic.version = 14 : i64} {
  func.func @_agg_body(%arg0: i32, %arg1: i32, %arg2: memref<10112x128xf32, #tpu.memory_space<hbm>>, %arg3: memref<2x16x79x128xi32, #tpu.memory_space<hbm>>, %arg4: memref<2x16x79x128xi32, #tpu.memory_space<hbm>>, %arg5: memref<632x128xf32, #tpu.memory_space<hbm>>, %arg6: memref<632xf32, #tpu.memory_space<hbm>>, %arg7: memref<2x10112x128xf32, #tpu.memory_space<hbm>>, %arg8: memref<20224xf32, #tpu.memory_space<hbm>>, %arg9: memref<79x128xi32, #tpu.memory_space<vmem>>, %arg10: memref<79x128xi32, #tpu.memory_space<vmem>>, %arg11: memref<128x128xf32, #tpu.memory_space<vmem>>, %arg12: memref<128xf32, #tpu.memory_space<vmem>>, %arg13: memref<632xf32, #tpu.memory_space<vmem>>, %arg14: memref<10112x128xf32, #tpu.memory_space<vmem_shared>>, %arg15: memref<10112xf32, #tpu.memory_space<vmem_shared>>, %arg16: memref<!tpu.dma_semaphore, #tpu.memory_space<semaphore_mem>>, %arg17: memref<!tpu.dma_semaphore, #tpu.memory_space<semaphore_mem>>) attributes {dimension_semantics = [#tpu.dimension_semantics<core_parallel>, #tpu.dimension_semantics<subcore_parallel>], iteration_bounds = array<i64: 2, 16>, scalar_prefetch = 0 : i64, scratch_operands = 9 : i64, tpu.core_type = #tpu.core_type<sc_vector_subcore>, window_params = [{transform_indices = #map}, {transform_indices = #map1}, {transform_indices = #map1}, {transform_indices = #map}, {transform_indices = #map2}, {transform_indices = #map3}, {transform_indices = #map2}]} {
    %mul3A = arith.constant 632 : i32
    %mul3A_0 = arith.muli %arg1, %mul3A : i32
    "tpu.region"() ({
      %run_scoped3A = tpu.sem_alloc : memref<!tpu.dma_semaphore, #tpu.memory_space<semaphore_mem>>
      %dma_start3A = arith.constant 0 : i32
      %dma_start3A_61 = arith.constant 0 : i32
      %dma_start3A_62 = tpu.memref_slice %arg3[%arg0, %arg1, %dma_start3A, %dma_start3A_61] : memref<2x16x79x128xi32, #tpu.memory_space<hbm>> -> memref<1x1x79x128xi32, #tpu.memory_space<hbm>>
      %dma_start3A_63 = tpu.memref_squeeze %dma_start3A_62 : memref<1x1x79x128xi32, #tpu.memory_space<hbm>> -> memref<79x128xi32, #tpu.memory_space<hbm>>
      %dma_start3A_64 = arith.constant 0 : i32
      %dma_start3A_65 = arith.constant 0 : i32
      %dma_start3A_66 = tpu.memref_slice %arg3[%arg0, %arg1, %dma_start3A_64, %dma_start3A_65] : memref<2x16x79x128xi32, #tpu.memory_space<hbm>> -> memref<1x1x79x128xi32, #tpu.memory_space<hbm>>
      %dma_start3A_67 = tpu.memref_squeeze %dma_start3A_66 : memref<1x1x79x128xi32, #tpu.memory_space<hbm>> -> memref<79x128xi32, #tpu.memory_space<hbm>>
      tpu.enqueue_dma source(%dma_start3A_67 : memref<79x128xi32, #tpu.memory_space<hbm>>) target(%arg9 : memref<79x128xi32, #tpu.memory_space<vmem>>) target_semaphore(%run_scoped3A : memref<!tpu.dma_semaphore, #tpu.memory_space<semaphore_mem>>)
      %dma_wait3A = arith.constant 0 : i32
      %dma_wait3A_68 = arith.constant 0 : i32
      %dma_wait3A_69 = tpu.memref_slice %arg3[%arg0, %arg1, %dma_wait3A, %dma_wait3A_68] : memref<2x16x79x128xi32, #tpu.memory_space<hbm>> -> memref<1x1x79x128xi32, #tpu.memory_space<hbm>>
      %dma_wait3A_70 = tpu.memref_squeeze %dma_wait3A_69 : memref<1x1x79x128xi32, #tpu.memory_space<hbm>> -> memref<79x128xi32, #tpu.memory_space<hbm>>
      %dma_wait3A_71 = arith.constant 0 : i32
      %dma_wait3A_72 = arith.constant 0 : i32
      %dma_wait3A_73 = tpu.memref_slice %arg3[%arg0, %arg1, %dma_wait3A_71, %dma_wait3A_72] : memref<2x16x79x128xi32, #tpu.memory_space<hbm>> -> memref<1x1x79x128xi32, #tpu.memory_space<hbm>>
      %dma_wait3A_74 = tpu.memref_squeeze %dma_wait3A_73 : memref<1x1x79x128xi32, #tpu.memory_space<hbm>> -> memref<79x128xi32, #tpu.memory_space<hbm>>
      tpu.wait_dma2 semaphore(%run_scoped3A : memref<!tpu.dma_semaphore, #tpu.memory_space<semaphore_mem>>) src(%dma_wait3A_74 : memref<79x128xi32, #tpu.memory_space<hbm>>) dst(%arg9 : memref<79x128xi32, #tpu.memory_space<vmem>>)
      tpu.yield
    }) : () -> ()
    "tpu.region"() ({
      %run_scoped3A = tpu.sem_alloc : memref<!tpu.dma_semaphore, #tpu.memory_space<semaphore_mem>>
      %dma_start3A = arith.constant 0 : i32
      %dma_start3A_61 = arith.constant 0 : i32
      %dma_start3A_62 = tpu.memref_slice %arg4[%arg0, %arg1, %dma_start3A, %dma_start3A_61] : memref<2x16x79x128xi32, #tpu.memory_space<hbm>> -> memref<1x1x79x128xi32, #tpu.memory_space<hbm>>
      %dma_start3A_63 = tpu.memref_squeeze %dma_start3A_62 : memref<1x1x79x128xi32, #tpu.memory_space<hbm>> -> memref<79x128xi32, #tpu.memory_space<hbm>>
      %dma_start3A_64 = arith.constant 0 : i32
      %dma_start3A_65 = arith.constant 0 : i32
      %dma_start3A_66 = tpu.memref_slice %arg4[%arg0, %arg1, %dma_start3A_64, %dma_start3A_65] : memref<2x16x79x128xi32, #tpu.memory_space<hbm>> -> memref<1x1x79x128xi32, #tpu.memory_space<hbm>>
      %dma_start3A_67 = tpu.memref_squeeze %dma_start3A_66 : memref<1x1x79x128xi32, #tpu.memory_space<hbm>> -> memref<79x128xi32, #tpu.memory_space<hbm>>
      tpu.enqueue_dma source(%dma_start3A_67 : memref<79x128xi32, #tpu.memory_space<hbm>>) target(%arg10 : memref<79x128xi32, #tpu.memory_space<vmem>>) target_semaphore(%run_scoped3A : memref<!tpu.dma_semaphore, #tpu.memory_space<semaphore_mem>>)
      %dma_wait3A = arith.constant 0 : i32
      %dma_wait3A_68 = arith.constant 0 : i32
      %dma_wait3A_69 = tpu.memref_slice %arg4[%arg0, %arg1, %dma_wait3A, %dma_wait3A_68] : memref<2x16x79x128xi32, #tpu.memory_space<hbm>> -> memref<1x1x79x128xi32, #tpu.memory_space<hbm>>
      %dma_wait3A_70 = tpu.memref_squeeze %dma_wait3A_69 : memref<1x1x79x128xi32, #tpu.memory_space<hbm>> -> memref<79x128xi32, #tpu.memory_space<hbm>>
      %dma_wait3A_71 = arith.constant 0 : i32
      %dma_wait3A_72 = arith.constant 0 : i32
      %dma_wait3A_73 = tpu.memref_slice %arg4[%arg0, %arg1, %dma_wait3A_71, %dma_wait3A_72] : memref<2x16x79x128xi32, #tpu.memory_space<hbm>> -> memref<1x1x79x128xi32, #tpu.memory_space<hbm>>
      %dma_wait3A_74 = tpu.memref_squeeze %dma_wait3A_73 : memref<1x1x79x128xi32, #tpu.memory_space<hbm>> -> memref<79x128xi32, #tpu.memory_space<hbm>>
      tpu.wait_dma2 semaphore(%run_scoped3A : memref<!tpu.dma_semaphore, #tpu.memory_space<semaphore_mem>>) src(%dma_wait3A_74 : memref<79x128xi32, #tpu.memory_space<hbm>>) dst(%arg10 : memref<79x128xi32, #tpu.memory_space<vmem>>)
      tpu.yield
    }) : () -> ()
    "tpu.region"() ({
      %run_scoped3A = tpu.sem_alloc : memref<!tpu.dma_semaphore, #tpu.memory_space<semaphore_mem>>
      %dma_start3A = arith.constant 0 : i32
      %dma_start3A_61 = tpu.memref_slice %arg14[%mul3A_0, %dma_start3A] : memref<10112x128xf32, #tpu.memory_space<vmem_shared>> -> memref<632x128xf32, #tpu.memory_space<vmem_shared>>
      tpu.enqueue_dma source(%arg5 : memref<632x128xf32, #tpu.memory_space<hbm>>) target(%dma_start3A_61 : memref<632x128xf32, #tpu.memory_space<vmem_shared>>) target_semaphore(%run_scoped3A : memref<!tpu.dma_semaphore, #tpu.memory_space<semaphore_mem>>)
      %dma_wait3A = arith.constant 0 : i32
      %dma_wait3A_62 = tpu.memref_slice %arg14[%mul3A_0, %dma_wait3A] : memref<10112x128xf32, #tpu.memory_space<vmem_shared>> -> memref<632x128xf32, #tpu.memory_space<vmem_shared>>
      tpu.wait_dma2 semaphore(%run_scoped3A : memref<!tpu.dma_semaphore, #tpu.memory_space<semaphore_mem>>) src(%arg5 : memref<632x128xf32, #tpu.memory_space<hbm>>) dst(%dma_wait3A_62 : memref<632x128xf32, #tpu.memory_space<vmem_shared>>)
      tpu.yield
    }) : () -> ()
    "tpu.region"() ({
      %run_scoped3A = tpu.sem_alloc : memref<!tpu.dma_semaphore, #tpu.memory_space<semaphore_mem>>
      tpu.enqueue_dma source(%arg6 : memref<632xf32, #tpu.memory_space<hbm>>) target(%arg13 : memref<632xf32, #tpu.memory_space<vmem>>) target_semaphore(%run_scoped3A : memref<!tpu.dma_semaphore, #tpu.memory_space<semaphore_mem>>)
      tpu.wait_dma2 semaphore(%run_scoped3A : memref<!tpu.dma_semaphore, #tpu.memory_space<semaphore_mem>>) src(%arg6 : memref<632xf32, #tpu.memory_space<hbm>>) dst(%arg13 : memref<632xf32, #tpu.memory_space<vmem>>)
      tpu.yield
    }) : () -> ()
    "tpu.region"() ({
      %run_scoped3A = tpu.sem_alloc : memref<!tpu.dma_semaphore, #tpu.memory_space<semaphore_mem>>
      %dma_start3A = tpu.memref_slice %arg15[%mul3A_0] : memref<10112xf32, #tpu.memory_space<vmem_shared>> -> memref<632xf32, #tpu.memory_space<vmem_shared>>
      %dma_start3A_61 = tpu.memref_slice %arg15[%mul3A_0] : memref<10112xf32, #tpu.memory_space<vmem_shared>> -> memref<632xf32, #tpu.memory_space<vmem_shared>>
      tpu.enqueue_dma source(%arg13 : memref<632xf32, #tpu.memory_space<vmem>>) target(%dma_start3A_61 : memref<632xf32, #tpu.memory_space<vmem_shared>>) target_semaphore(%run_scoped3A : memref<!tpu.dma_semaphore, #tpu.memory_space<semaphore_mem>>)
      %dma_wait3A = tpu.memref_slice %arg15[%mul3A_0] : memref<10112xf32, #tpu.memory_space<vmem_shared>> -> memref<632xf32, #tpu.memory_space<vmem_shared>>
      %dma_wait3A_62 = tpu.memref_slice %arg15[%mul3A_0] : memref<10112xf32, #tpu.memory_space<vmem_shared>> -> memref<632xf32, #tpu.memory_space<vmem_shared>>
      tpu.wait_dma2 semaphore(%run_scoped3A : memref<!tpu.dma_semaphore, #tpu.memory_space<semaphore_mem>>) src(%arg13 : memref<632xf32, #tpu.memory_space<vmem>>) dst(%dma_wait3A_62 : memref<632xf32, #tpu.memory_space<vmem_shared>>)
      tpu.yield
    }) : () -> ()
    %broadcast_in_dim3A = arith.constant 1.000000e+00 : f32
    %broadcast_in_dim3A_1 = vector.broadcast %broadcast_in_dim3A : f32 to vector<16xf32>
    %swap3A = arith.constant 0 : index
    %swap3A_2 = tpu.vector_load %arg12[%swap3A] {strides = array<i32>} : memref<128xf32, #tpu.memory_space<vmem>>, vector<16xf32>,
    %swap3A_3 = vector.shape_cast %swap3A_2 : vector<16xf32> to vector<16xf32>
    %swap3A_4 = vector.shape_cast %broadcast_in_dim3A_1 : vector<16xf32> to vector<16xf32>
    tpu.vector_store %arg12[%swap3A], %swap3A_4 {strides = array<i32>} : memref<128xf32, #tpu.memory_space<vmem>>, vector<16xf32>,
    %broadcast_in_dim3A_5 = arith.constant 1.000000e+00 : f32
    %broadcast_in_dim3A_6 = vector.broadcast %broadcast_in_dim3A_5 : f32 to vector<16xf32>
    %swap3A_7 = arith.constant 16 : index
    %swap3A_8 = tpu.vector_load %arg12[%swap3A_7] {strides = array<i32>} : memref<128xf32, #tpu.memory_space<vmem>>, vector<16xf32>,
    %swap3A_9 = vector.shape_cast %swap3A_8 : vector<16xf32> to vector<16xf32>
    %swap3A_10 = vector.shape_cast %broadcast_in_dim3A_6 : vector<16xf32> to vector<16xf32>
    tpu.vector_store %arg12[%swap3A_7], %swap3A_10 {strides = array<i32>} : memref<128xf32, #tpu.memory_space<vmem>>, vector<16xf32>,
    %broadcast_in_dim3A_11 = arith.constant 1.000000e+00 : f32
    %broadcast_in_dim3A_12 = vector.broadcast %broadcast_in_dim3A_11 : f32 to vector<16xf32>
    %swap3A_13 = arith.constant 32 : index
    %swap3A_14 = tpu.vector_load %arg12[%swap3A_13] {strides = array<i32>} : memref<128xf32, #tpu.memory_space<vmem>>, vector<16xf32>,
    %swap3A_15 = vector.shape_cast %swap3A_14 : vector<16xf32> to vector<16xf32>
    %swap3A_16 = vector.shape_cast %broadcast_in_dim3A_12 : vector<16xf32> to vector<16xf32>
    tpu.vector_store %arg12[%swap3A_13], %swap3A_16 {strides = array<i32>} : memref<128xf32, #tpu.memory_space<vmem>>, vector<16xf32>,
    %broadcast_in_dim3A_17 = arith.constant 1.000000e+00 : f32
    %broadcast_in_dim3A_18 = vector.broadcast %broadcast_in_dim3A_17 : f32 to vector<16xf32>
    %swap3A_19 = arith.constant 48 : index
    %swap3A_20 = tpu.vector_load %arg12[%swap3A_19] {strides = array<i32>} : memref<128xf32, #tpu.memory_space<vmem>>, vector<16xf32>,
    %swap3A_21 = vector.shape_cast %swap3A_20 : vector<16xf32> to vector<16xf32>
    %swap3A_22 = vector.shape_cast %broadcast_in_dim3A_18 : vector<16xf32> to vector<16xf32>
    tpu.vector_store %arg12[%swap3A_19], %swap3A_22 {strides = array<i32>} : memref<128xf32, #tpu.memory_space<vmem>>, vector<16xf32>,
    %broadcast_in_dim3A_23 = arith.constant 1.000000e+00 : f32
    %broadcast_in_dim3A_24 = vector.broadcast %broadcast_in_dim3A_23 : f32 to vector<16xf32>
    %swap3A_25 = arith.constant 64 : index
    %swap3A_26 = tpu.vector_load %arg12[%swap3A_25] {strides = array<i32>} : memref<128xf32, #tpu.memory_space<vmem>>, vector<16xf32>,
    %swap3A_27 = vector.shape_cast %swap3A_26 : vector<16xf32> to vector<16xf32>
    %swap3A_28 = vector.shape_cast %broadcast_in_dim3A_24 : vector<16xf32> to vector<16xf32>
    tpu.vector_store %arg12[%swap3A_25], %swap3A_28 {strides = array<i32>} : memref<128xf32, #tpu.memory_space<vmem>>, vector<16xf32>,
    %broadcast_in_dim3A_29 = arith.constant 1.000000e+00 : f32
    %broadcast_in_dim3A_30 = vector.broadcast %broadcast_in_dim3A_29 : f32 to vector<16xf32>
    %swap3A_31 = arith.constant 80 : index
    %swap3A_32 = tpu.vector_load %arg12[%swap3A_31] {strides = array<i32>} : memref<128xf32, #tpu.memory_space<vmem>>, vector<16xf32>,
    %swap3A_33 = vector.shape_cast %swap3A_32 : vector<16xf32> to vector<16xf32>
    %swap3A_34 = vector.shape_cast %broadcast_in_dim3A_30 : vector<16xf32> to vector<16xf32>
    tpu.vector_store %arg12[%swap3A_31], %swap3A_34 {strides = array<i32>} : memref<128xf32, #tpu.memory_space<vmem>>, vector<16xf32>,
    %broadcast_in_dim3A_35 = arith.constant 1.000000e+00 : f32
    %broadcast_in_dim3A_36 = vector.broadcast %broadcast_in_dim3A_35 : f32 to vector<16xf32>
    %swap3A_37 = arith.constant 96 : index
    %swap3A_38 = tpu.vector_load %arg12[%swap3A_37] {strides = array<i32>} : memref<128xf32, #tpu.memory_space<vmem>>, vector<16xf32>,
    %swap3A_39 = vector.shape_cast %swap3A_38 : vector<16xf32> to vector<16xf32>
    %swap3A_40 = vector.shape_cast %broadcast_in_dim3A_36 : vector<16xf32> to vector<16xf32>
    tpu.vector_store %arg12[%swap3A_37], %swap3A_40 {strides = array<i32>} : memref<128xf32, #tpu.memory_space<vmem>>, vector<16xf32>,
    %broadcast_in_dim3A_41 = arith.constant 1.000000e+00 : f32
    %broadcast_in_dim3A_42 = vector.broadcast %broadcast_in_dim3A_41 : f32 to vector<16xf32>
    %swap3A_43 = arith.constant 112 : index
    %swap3A_44 = tpu.vector_load %arg12[%swap3A_43] {strides = array<i32>} : memref<128xf32, #tpu.memory_space<vmem>>, vector<16xf32>,
    %swap3A_45 = vector.shape_cast %swap3A_44 : vector<16xf32> to vector<16xf32>
    %swap3A_46 = vector.shape_cast %broadcast_in_dim3A_42 : vector<16xf32> to vector<16xf32>
    tpu.vector_store %arg12[%swap3A_43], %swap3A_46 {strides = array<i32>} : memref<128xf32, #tpu.memory_space<vmem>>, vector<16xf32>,
    %barrier3A = arith.constant 0 : index
    tpu.barrier barrier_id(%barrier3A)
    %scan3A = arith.constant 0 : i32
    %scan3A_47 = arith.constant 0 : i32
    %scan3A_48 = arith.constant 79 : i32
    %scan3A_49 = arith.addi %scan3A_47, %scan3A_48 : i32
    %scan3A_50 = arith.constant 1 : i32
    scf.for %scan3A_61 = %scan3A_47 to %scan3A_49 step %scan3A_50  : i32 {
      %dma_start3A = arith.constant 0 : i32
      %dma_start3A_62 = tpu.memref_slice %arg9[%scan3A_61, %dma_start3A] : memref<79x128xi32, #tpu.memory_space<vmem>> -> memref<1x128xi32, #tpu.memory_space<vmem>>
      %dma_start3A_63 = tpu.memref_squeeze %dma_start3A_62 : memref<1x128xi32, #tpu.memory_space<vmem>> -> memref<128xi32, #tpu.memory_space<vmem>>
      %dma_start3A_64 = arith.constant 0 : i32
      %dma_start3A_65 = arith.constant 0 : i32
      %dma_start3A_66 = tpu.memref_slice %arg2[%dma_start3A_64, %dma_start3A_65] : memref<10112x128xf32, #tpu.memory_space<hbm>> -> memref<10112x128xf32, #tpu.memory_space<hbm>>
      tpu.enqueue_indirect_dma source(%dma_start3A_66 : memref<10112x128xf32, #tpu.memory_space<hbm>>) target(%arg11 : memref<128x128xf32, #tpu.memory_space<vmem>>) offsets(%dma_start3A_63 : memref<128xi32, #tpu.memory_space<vmem>>) semaphore(%arg16 : memref<!tpu.dma_semaphore, #tpu.memory_space<semaphore_mem>>)
      %dma_wait3A = arith.constant 0 : i32
      %dma_wait3A_67 = tpu.memref_slice %arg9[%scan3A_61, %dma_wait3A] : memref<79x128xi32, #tpu.memory_space<vmem>> -> memref<1x128xi32, #tpu.memory_space<vmem>>
      %dma_wait3A_68 = tpu.memref_squeeze %dma_wait3A_67 : memref<1x128xi32, #tpu.memory_space<vmem>> -> memref<128xi32, #tpu.memory_space<vmem>>
      %dma_wait3A_69 = arith.constant 0 : i32
      %dma_wait3A_70 = arith.constant 0 : i32
      %dma_wait3A_71 = tpu.memref_slice %arg2[%dma_wait3A_69, %dma_wait3A_70] : memref<10112x128xf32, #tpu.memory_space<hbm>> -> memref<10112x128xf32, #tpu.memory_space<hbm>>
      tpu.wait_indirect_dma semaphore(%arg16 : memref<!tpu.dma_semaphore, #tpu.memory_space<semaphore_mem>>) src(%dma_wait3A_71 : memref<10112x128xf32, #tpu.memory_space<hbm>>) dst(%arg11 : memref<128x128xf32, #tpu.memory_space<vmem>>)
      %dma_start3A_72 = arith.constant 0 : i32
      %dma_start3A_73 = tpu.memref_slice %arg10[%scan3A_61, %dma_start3A_72] : memref<79x128xi32, #tpu.memory_space<vmem>> -> memref<1x128xi32, #tpu.memory_space<vmem>>
      %dma_start3A_74 = tpu.memref_squeeze %dma_start3A_73 : memref<1x128xi32, #tpu.memory_space<vmem>> -> memref<128xi32, #tpu.memory_space<vmem>>
      %dma_start3A_75 = arith.constant 0 : i32
      %dma_start3A_76 = tpu.memref_slice %arg15[%dma_start3A_75] : memref<10112xf32, #tpu.memory_space<vmem_shared>> -> memref<10112xf32, #tpu.memory_space<vmem_shared>>
      tpu.enqueue_indirect_dma source(%arg12 : memref<128xf32, #tpu.memory_space<vmem>>) target(%dma_start3A_76 : memref<10112xf32, #tpu.memory_space<vmem_shared>>) offsets(%dma_start3A_74 : memref<128xi32, #tpu.memory_space<vmem>>) semaphore(%arg17 : memref<!tpu.dma_semaphore, #tpu.memory_space<semaphore_mem>>) {add = true}
      "tpu.region"() ({
        %run_scoped3A = tpu.sem_alloc : memref<!tpu.dma_semaphore, #tpu.memory_space<semaphore_mem>>
        %dma_start3A_77 = arith.constant 0 : i32
        %dma_start3A_78 = tpu.memref_slice %arg10[%scan3A_61, %dma_start3A_77] : memref<79x128xi32, #tpu.memory_space<vmem>> -> memref<1x128xi32, #tpu.memory_space<vmem>>
        %dma_start3A_79 = tpu.memref_squeeze %dma_start3A_78 : memref<1x128xi32, #tpu.memory_space<vmem>> -> memref<128xi32, #tpu.memory_space<vmem>>
        %dma_start3A_80 = arith.constant 0 : i32
        %dma_start3A_81 = arith.constant 0 : i32
        %dma_start3A_82 = tpu.memref_slice %arg14[%dma_start3A_80, %dma_start3A_81] : memref<10112x128xf32, #tpu.memory_space<vmem_shared>> -> memref<10112x128xf32, #tpu.memory_space<vmem_shared>>
        tpu.enqueue_indirect_dma source(%arg11 : memref<128x128xf32, #tpu.memory_space<vmem>>) target(%dma_start3A_82 : memref<10112x128xf32, #tpu.memory_space<vmem_shared>>) offsets(%dma_start3A_79 : memref<128xi32, #tpu.memory_space<vmem>>) semaphore(%run_scoped3A : memref<!tpu.dma_semaphore, #tpu.memory_space<semaphore_mem>>) {add = true}
        %dma_wait3A_83 = arith.constant 0 : i32
        %dma_wait3A_84 = tpu.memref_slice %arg10[%scan3A_61, %dma_wait3A_83] : memref<79x128xi32, #tpu.memory_space<vmem>> -> memref<1x128xi32, #tpu.memory_space<vmem>>
        %dma_wait3A_85 = tpu.memref_squeeze %dma_wait3A_84 : memref<1x128xi32, #tpu.memory_space<vmem>> -> memref<128xi32, #tpu.memory_space<vmem>>
        %dma_wait3A_86 = arith.constant 0 : i32
        %dma_wait3A_87 = arith.constant 0 : i32
        %dma_wait3A_88 = tpu.memref_slice %arg14[%dma_wait3A_86, %dma_wait3A_87] : memref<10112x128xf32, #tpu.memory_space<vmem_shared>> -> memref<10112x128xf32, #tpu.memory_space<vmem_shared>>
        tpu.wait_indirect_dma semaphore(%run_scoped3A : memref<!tpu.dma_semaphore, #tpu.memory_space<semaphore_mem>>) src(%arg11 : memref<128x128xf32, #tpu.memory_space<vmem>>) dst(%dma_wait3A_88 : memref<10112x128xf32, #tpu.memory_space<vmem_shared>>)
        tpu.yield
      }) : () -> ()
    }
    %scan3A_51 = arith.constant 79 : i32
    %scan3A_52 = arith.constant 0 : i32
    %scan3A_53 = arith.constant 0 : i32
    %scan3A_54 = arith.constant 79 : i32
    %scan3A_55 = arith.addi %scan3A_53, %scan3A_54 : i32
    %scan3A_56 = arith.constant 1 : i32
    scf.for %scan3A_61 = %scan3A_53 to %scan3A_55 step %scan3A_56  : i32 {
      %dma_wait3A = arith.constant 0 : i32
      %dma_wait3A_62 = tpu.memref_slice %arg10[%scan3A_61, %dma_wait3A] : memref<79x128xi32, #tpu.memory_space<vmem>> -> memref<1x128xi32, #tpu.memory_space<vmem>>
      %dma_wait3A_63 = tpu.memref_squeeze %dma_wait3A_62 : memref<1x128xi32, #tpu.memory_space<vmem>> -> memref<128xi32, #tpu.memory_space<vmem>>
      %dma_wait3A_64 = arith.constant 0 : i32
      %dma_wait3A_65 = tpu.memref_slice %arg15[%dma_wait3A_64] : memref<10112xf32, #tpu.memory_space<vmem_shared>> -> memref<10112xf32, #tpu.memory_space<vmem_shared>>
      tpu.wait_indirect_dma semaphore(%arg17 : memref<!tpu.dma_semaphore, #tpu.memory_space<semaphore_mem>>) src(%arg12 : memref<128xf32, #tpu.memory_space<vmem>>) dst(%dma_wait3A_65 : memref<10112xf32, #tpu.memory_space<vmem_shared>>)
    }
    %scan3A_57 = arith.constant 79 : i32
    %barrier3A_58 = arith.constant 0 : index
    tpu.barrier barrier_id(%barrier3A_58)
    "tpu.region"() ({
      %run_scoped3A = tpu.sem_alloc : memref<!tpu.dma_semaphore, #tpu.memory_space<semaphore_mem>>
      %dma_start3A = arith.constant 0 : i32
      %dma_start3A_61 = tpu.memref_slice %arg7[%arg0, %mul3A_0, %dma_start3A] : memref<2x10112x128xf32, #tpu.memory_space<hbm>> -> memref<1x632x128xf32, #tpu.memory_space<hbm>>
      %dma_start3A_62 = tpu.memref_squeeze %dma_start3A_61 : memref<1x632x128xf32, #tpu.memory_space<hbm>> -> memref<632x128xf32, #tpu.memory_space<hbm>>
      %dma_start3A_63 = arith.constant 0 : i32
      %dma_start3A_64 = tpu.memref_slice %arg14[%mul3A_0, %dma_start3A_63] : memref<10112x128xf32, #tpu.memory_space<vmem_shared>> -> memref<632x128xf32, #tpu.memory_space<vmem_shared>>
      tpu.enqueue_dma source(%dma_start3A_64 : memref<632x128xf32, #tpu.memory_space<vmem_shared>>) target(%dma_start3A_62 : memref<632x128xf32, #tpu.memory_space<hbm>>) target_semaphore(%run_scoped3A : memref<!tpu.dma_semaphore, #tpu.memory_space<semaphore_mem>>)
      %dma_wait3A = arith.constant 0 : i32
      %dma_wait3A_65 = tpu.memref_slice %arg7[%arg0, %mul3A_0, %dma_wait3A] : memref<2x10112x128xf32, #tpu.memory_space<hbm>> -> memref<1x632x128xf32, #tpu.memory_space<hbm>>
      %dma_wait3A_66 = tpu.memref_squeeze %dma_wait3A_65 : memref<1x632x128xf32, #tpu.memory_space<hbm>> -> memref<632x128xf32, #tpu.memory_space<hbm>>
      %dma_wait3A_67 = arith.constant 0 : i32
      %dma_wait3A_68 = tpu.memref_slice %arg14[%mul3A_0, %dma_wait3A_67] : memref<10112x128xf32, #tpu.memory_space<vmem_shared>> -> memref<632x128xf32, #tpu.memory_space<vmem_shared>>
      tpu.wait_dma2 semaphore(%run_scoped3A : memref<!tpu.dma_semaphore, #tpu.memory_space<semaphore_mem>>) src(%dma_wait3A_68 : memref<632x128xf32, #tpu.memory_space<vmem_shared>>) dst(%dma_wait3A_66 : memref<632x128xf32, #tpu.memory_space<hbm>>)
      tpu.yield
    }) : () -> ()
    "tpu.region"() ({
      %run_scoped3A = tpu.sem_alloc : memref<!tpu.dma_semaphore, #tpu.memory_space<semaphore_mem>>
      %dma_start3A = tpu.memref_slice %arg15[%mul3A_0] : memref<10112xf32, #tpu.memory_space<vmem_shared>> -> memref<632xf32, #tpu.memory_space<vmem_shared>>
      %dma_start3A_61 = tpu.memref_slice %arg15[%mul3A_0] : memref<10112xf32, #tpu.memory_space<vmem_shared>> -> memref<632xf32, #tpu.memory_space<vmem_shared>>
      tpu.enqueue_dma source(%dma_start3A_61 : memref<632xf32, #tpu.memory_space<vmem_shared>>) target(%arg13 : memref<632xf32, #tpu.memory_space<vmem>>) target_semaphore(%run_scoped3A : memref<!tpu.dma_semaphore, #tpu.memory_space<semaphore_mem>>)
      %dma_wait3A = tpu.memref_slice %arg15[%mul3A_0] : memref<10112xf32, #tpu.memory_space<vmem_shared>> -> memref<632xf32, #tpu.memory_space<vmem_shared>>
      %dma_wait3A_62 = tpu.memref_slice %arg15[%mul3A_0] : memref<10112xf32, #tpu.memory_space<vmem_shared>> -> memref<632xf32, #tpu.memory_space<vmem_shared>>
      tpu.wait_dma2 semaphore(%run_scoped3A : memref<!tpu.dma_semaphore, #tpu.memory_space<semaphore_mem>>) src(%dma_wait3A_62 : memref<632xf32, #tpu.memory_space<vmem_shared>>) dst(%arg13 : memref<632xf32, #tpu.memory_space<vmem>>)
      tpu.yield
    }) : () -> ()
    %mul3A_59 = arith.constant 10112 : i32
    %mul3A_60 = arith.muli %arg0, %mul3A_59 : i32
    %add3A = arith.addi %mul3A_60, %mul3A_0 : i32
    "tpu.region"() ({
      %run_scoped3A = tpu.sem_alloc : memref<!tpu.dma_semaphore, #tpu.memory_space<semaphore_mem>>
      %dma_start3A = tpu.memref_slice %arg8[%add3A] : memref<20224xf32, #tpu.memory_space<hbm>> -> memref<632xf32, #tpu.memory_space<hbm>>
      %dma_start3A_61 = tpu.memref_slice %arg8[%add3A] : memref<20224xf32, #tpu.memory_space<hbm>> -> memref<632xf32, #tpu.memory_space<hbm>>
      tpu.enqueue_dma source(%arg13 : memref<632xf32, #tpu.memory_space<vmem>>) target(%dma_start3A_61 : memref<632xf32, #tpu.memory_space<hbm>>) target_semaphore(%run_scoped3A : memref<!tpu.dma_semaphore, #tpu.memory_space<semaphore_mem>>)
      %dma_wait3A = tpu.memref_slice %arg8[%add3A] : memref<20224xf32, #tpu.memory_space<hbm>> -> memref<632xf32, #tpu.memory_space<hbm>>
      %dma_wait3A_62 = tpu.memref_slice %arg8[%add3A] : memref<20224xf32, #tpu.memory_space<hbm>> -> memref<632xf32, #tpu.memory_space<hbm>>
      tpu.wait_dma2 semaphore(%run_scoped3A : memref<!tpu.dma_semaphore, #tpu.memory_space<semaphore_mem>>) src(%arg13 : memref<632xf32, #tpu.memory_space<vmem>>) dst(%dma_wait3A_62 : memref<632xf32, #tpu.memory_space<hbm>>)
      tpu.yield
    }) : () -> ()
    return
  }
}

#map = affine_map<(d0, d1) -> (0, 0)>
#map1 = affine_map<(d0, d1) -> (0, 0, 0, 0)>
#map2 = affine_map<(d0, d1) -> (0)>
#map3 = affine_map<(d0, d1) -> (0, 0, 0)>
module attributes {stable_mosaic.version = 14 : i64} {
  func.func @_agg_body(%arg0: i32, %arg1: i32, %arg2: memref<10000x128xf32, #tpu.memory_space<hbm>>, %arg3: memref<2x16x79x128xi32, #tpu.memory_space<hbm>>, %arg4: memref<2x16x79x128xi32, #tpu.memory_space<hbm>>, %arg5: memref<632x128xf32, #tpu.memory_space<hbm>>, %arg6: memref<632xf32, #tpu.memory_space<hbm>>, %arg7: memref<2x10112x128xf32, #tpu.memory_space<hbm>>, %arg8: memref<20224xf32, #tpu.memory_space<hbm>>, %arg9: memref<79x128xi32, #tpu.memory_space<vmem>>, %arg10: memref<79x128xi32, #tpu.memory_space<vmem>>, %arg11: memref<128x128xf32, #tpu.memory_space<vmem>>, %arg12: memref<128xf32, #tpu.memory_space<vmem>>, %arg13: memref<632xf32, #tpu.memory_space<vmem>>, %arg14: memref<10112x128xf32, #tpu.memory_space<vmem_shared>>, %arg15: memref<10112xf32, #tpu.memory_space<vmem_shared>>, %arg16: memref<!tpu.dma_semaphore, #tpu.memory_space<semaphore_mem>>, %arg17: memref<!tpu.dma_semaphore, #tpu.memory_space<semaphore_mem>>) attributes {dimension_semantics = [#tpu.dimension_semantics<core_parallel>, #tpu.dimension_semantics<subcore_parallel>], iteration_bounds = array<i64: 2, 16>, scalar_prefetch = 0 : i64, scratch_operands = 9 : i64, tpu.core_type = #tpu.core_type<sc_vector_subcore>, window_params = [{transform_indices = #map}, {transform_indices = #map1}, {transform_indices = #map1}, {transform_indices = #map}, {transform_indices = #map2}, {transform_indices = #map3}, {transform_indices = #map2}]} {
    %mul3A = arith.constant 632 : i32
    %mul3A_0 = arith.muli %arg1, %mul3A : i32
    "tpu.region"() ({
      %run_scoped3A = tpu.sem_alloc : memref<!tpu.dma_semaphore, #tpu.memory_space<semaphore_mem>>
      %dma_start3A = arith.constant 0 : i32
      %dma_start3A_61 = arith.constant 0 : i32
      %dma_start3A_62 = tpu.memref_slice %arg3[%arg0, %arg1, %dma_start3A, %dma_start3A_61] : memref<2x16x79x128xi32, #tpu.memory_space<hbm>> -> memref<1x1x79x128xi32, #tpu.memory_space<hbm>>
      %dma_start3A_63 = tpu.memref_squeeze %dma_start3A_62 : memref<1x1x79x128xi32, #tpu.memory_space<hbm>> -> memref<79x128xi32, #tpu.memory_space<hbm>>
      %dma_start3A_64 = arith.constant 0 : i32
      %dma_start3A_65 = arith.constant 0 : i32
      %dma_start3A_66 = tpu.memref_slice %arg3[%arg0, %arg1, %dma_start3A_64, %dma_start3A_65] : memref<2x16x79x128xi32, #tpu.memory_space<hbm>> -> memref<1x1x79x128xi32, #tpu.memory_space<hbm>>
      %dma_start3A_67 = tpu.memref_squeeze %dma_start3A_66 : memref<1x1x79x128xi32, #tpu.memory_space<hbm>> -> memref<79x128xi32, #tpu.memory_space<hbm>>
      tpu.enqueue_dma source(%dma_start3A_67 : memref<79x128xi32, #tpu.memory_space<hbm>>) target(%arg9 : memref<79x128xi32, #tpu.memory_space<vmem>>) target_semaphore(%run_scoped3A : memref<!tpu.dma_semaphore, #tpu.memory_space<semaphore_mem>>)
      %dma_wait3A = arith.constant 0 : i32
      %dma_wait3A_68 = arith.constant 0 : i32
      %dma_wait3A_69 = tpu.memref_slice %arg3[%arg0, %arg1, %dma_wait3A, %dma_wait3A_68] : memref<2x16x79x128xi32, #tpu.memory_space<hbm>> -> memref<1x1x79x128xi32, #tpu.memory_space<hbm>>
      %dma_wait3A_70 = tpu.memref_squeeze %dma_wait3A_69 : memref<1x1x79x128xi32, #tpu.memory_space<hbm>> -> memref<79x128xi32, #tpu.memory_space<hbm>>
      %dma_wait3A_71 = arith.constant 0 : i32
      %dma_wait3A_72 = arith.constant 0 : i32
      %dma_wait3A_73 = tpu.memref_slice %arg3[%arg0, %arg1, %dma_wait3A_71, %dma_wait3A_72] : memref<2x16x79x128xi32, #tpu.memory_space<hbm>> -> memref<1x1x79x128xi32, #tpu.memory_space<hbm>>
      %dma_wait3A_74 = tpu.memref_squeeze %dma_wait3A_73 : memref<1x1x79x128xi32, #tpu.memory_space<hbm>> -> memref<79x128xi32, #tpu.memory_space<hbm>>
      tpu.wait_dma2 semaphore(%run_scoped3A : memref<!tpu.dma_semaphore, #tpu.memory_space<semaphore_mem>>) src(%dma_wait3A_74 : memref<79x128xi32, #tpu.memory_space<hbm>>) dst(%arg9 : memref<79x128xi32, #tpu.memory_space<vmem>>)
      tpu.yield
    }) : () -> ()
    "tpu.region"() ({
      %run_scoped3A = tpu.sem_alloc : memref<!tpu.dma_semaphore, #tpu.memory_space<semaphore_mem>>
      %dma_start3A = arith.constant 0 : i32
      %dma_start3A_61 = arith.constant 0 : i32
      %dma_start3A_62 = tpu.memref_slice %arg4[%arg0, %arg1, %dma_start3A, %dma_start3A_61] : memref<2x16x79x128xi32, #tpu.memory_space<hbm>> -> memref<1x1x79x128xi32, #tpu.memory_space<hbm>>
      %dma_start3A_63 = tpu.memref_squeeze %dma_start3A_62 : memref<1x1x79x128xi32, #tpu.memory_space<hbm>> -> memref<79x128xi32, #tpu.memory_space<hbm>>
      %dma_start3A_64 = arith.constant 0 : i32
      %dma_start3A_65 = arith.constant 0 : i32
      %dma_start3A_66 = tpu.memref_slice %arg4[%arg0, %arg1, %dma_start3A_64, %dma_start3A_65] : memref<2x16x79x128xi32, #tpu.memory_space<hbm>> -> memref<1x1x79x128xi32, #tpu.memory_space<hbm>>
      %dma_start3A_67 = tpu.memref_squeeze %dma_start3A_66 : memref<1x1x79x128xi32, #tpu.memory_space<hbm>> -> memref<79x128xi32, #tpu.memory_space<hbm>>
      tpu.enqueue_dma source(%dma_start3A_67 : memref<79x128xi32, #tpu.memory_space<hbm>>) target(%arg10 : memref<79x128xi32, #tpu.memory_space<vmem>>) target_semaphore(%run_scoped3A : memref<!tpu.dma_semaphore, #tpu.memory_space<semaphore_mem>>)
      %dma_wait3A = arith.constant 0 : i32
      %dma_wait3A_68 = arith.constant 0 : i32
      %dma_wait3A_69 = tpu.memref_slice %arg4[%arg0, %arg1, %dma_wait3A, %dma_wait3A_68] : memref<2x16x79x128xi32, #tpu.memory_space<hbm>> -> memref<1x1x79x128xi32, #tpu.memory_space<hbm>>
      %dma_wait3A_70 = tpu.memref_squeeze %dma_wait3A_69 : memref<1x1x79x128xi32, #tpu.memory_space<hbm>> -> memref<79x128xi32, #tpu.memory_space<hbm>>
      %dma_wait3A_71 = arith.constant 0 : i32
      %dma_wait3A_72 = arith.constant 0 : i32
      %dma_wait3A_73 = tpu.memref_slice %arg4[%arg0, %arg1, %dma_wait3A_71, %dma_wait3A_72] : memref<2x16x79x128xi32, #tpu.memory_space<hbm>> -> memref<1x1x79x128xi32, #tpu.memory_space<hbm>>
      %dma_wait3A_74 = tpu.memref_squeeze %dma_wait3A_73 : memref<1x1x79x128xi32, #tpu.memory_space<hbm>> -> memref<79x128xi32, #tpu.memory_space<hbm>>
      tpu.wait_dma2 semaphore(%run_scoped3A : memref<!tpu.dma_semaphore, #tpu.memory_space<semaphore_mem>>) src(%dma_wait3A_74 : memref<79x128xi32, #tpu.memory_space<hbm>>) dst(%arg10 : memref<79x128xi32, #tpu.memory_space<vmem>>)
      tpu.yield
    }) : () -> ()
    "tpu.region"() ({
      %run_scoped3A = tpu.sem_alloc : memref<!tpu.dma_semaphore, #tpu.memory_space<semaphore_mem>>
      %dma_start3A = arith.constant 0 : i32
      %dma_start3A_61 = tpu.memref_slice %arg14[%mul3A_0, %dma_start3A] : memref<10112x128xf32, #tpu.memory_space<vmem_shared>> -> memref<632x128xf32, #tpu.memory_space<vmem_shared>>
      tpu.enqueue_dma source(%arg5 : memref<632x128xf32, #tpu.memory_space<hbm>>) target(%dma_start3A_61 : memref<632x128xf32, #tpu.memory_space<vmem_shared>>) target_semaphore(%run_scoped3A : memref<!tpu.dma_semaphore, #tpu.memory_space<semaphore_mem>>)
      %dma_wait3A = arith.constant 0 : i32
      %dma_wait3A_62 = tpu.memref_slice %arg14[%mul3A_0, %dma_wait3A] : memref<10112x128xf32, #tpu.memory_space<vmem_shared>> -> memref<632x128xf32, #tpu.memory_space<vmem_shared>>
      tpu.wait_dma2 semaphore(%run_scoped3A : memref<!tpu.dma_semaphore, #tpu.memory_space<semaphore_mem>>) src(%arg5 : memref<632x128xf32, #tpu.memory_space<hbm>>) dst(%dma_wait3A_62 : memref<632x128xf32, #tpu.memory_space<vmem_shared>>)
      tpu.yield
    }) : () -> ()
    "tpu.region"() ({
      %run_scoped3A = tpu.sem_alloc : memref<!tpu.dma_semaphore, #tpu.memory_space<semaphore_mem>>
      tpu.enqueue_dma source(%arg6 : memref<632xf32, #tpu.memory_space<hbm>>) target(%arg13 : memref<632xf32, #tpu.memory_space<vmem>>) target_semaphore(%run_scoped3A : memref<!tpu.dma_semaphore, #tpu.memory_space<semaphore_mem>>)
      tpu.wait_dma2 semaphore(%run_scoped3A : memref<!tpu.dma_semaphore, #tpu.memory_space<semaphore_mem>>) src(%arg6 : memref<632xf32, #tpu.memory_space<hbm>>) dst(%arg13 : memref<632xf32, #tpu.memory_space<vmem>>)
      tpu.yield
    }) : () -> ()
    "tpu.region"() ({
      %run_scoped3A = tpu.sem_alloc : memref<!tpu.dma_semaphore, #tpu.memory_space<semaphore_mem>>
      %dma_start3A = tpu.memref_slice %arg15[%mul3A_0] : memref<10112xf32, #tpu.memory_space<vmem_shared>> -> memref<632xf32, #tpu.memory_space<vmem_shared>>
      %dma_start3A_61 = tpu.memref_slice %arg15[%mul3A_0] : memref<10112xf32, #tpu.memory_space<vmem_shared>> -> memref<632xf32, #tpu.memory_space<vmem_shared>>
      tpu.enqueue_dma source(%arg13 : memref<632xf32, #tpu.memory_space<vmem>>) target(%dma_start3A_61 : memref<632xf32, #tpu.memory_space<vmem_shared>>) target_semaphore(%run_scoped3A : memref<!tpu.dma_semaphore, #tpu.memory_space<semaphore_mem>>)
      %dma_wait3A = tpu.memref_slice %arg15[%mul3A_0] : memref<10112xf32, #tpu.memory_space<vmem_shared>> -> memref<632xf32, #tpu.memory_space<vmem_shared>>
      %dma_wait3A_62 = tpu.memref_slice %arg15[%mul3A_0] : memref<10112xf32, #tpu.memory_space<vmem_shared>> -> memref<632xf32, #tpu.memory_space<vmem_shared>>
      tpu.wait_dma2 semaphore(%run_scoped3A : memref<!tpu.dma_semaphore, #tpu.memory_space<semaphore_mem>>) src(%arg13 : memref<632xf32, #tpu.memory_space<vmem>>) dst(%dma_wait3A_62 : memref<632xf32, #tpu.memory_space<vmem_shared>>)
      tpu.yield
    }) : () -> ()
    %broadcast_in_dim3A = arith.constant 1.000000e+00 : f32
    %broadcast_in_dim3A_1 = vector.broadcast %broadcast_in_dim3A : f32 to vector<16xf32>
    %swap3A = arith.constant 0 : index
    %swap3A_2 = tpu.vector_load %arg12[%swap3A] {strides = array<i32>} : memref<128xf32, #tpu.memory_space<vmem>>, vector<16xf32>,
    %swap3A_3 = vector.shape_cast %swap3A_2 : vector<16xf32> to vector<16xf32>
    %swap3A_4 = vector.shape_cast %broadcast_in_dim3A_1 : vector<16xf32> to vector<16xf32>
    tpu.vector_store %arg12[%swap3A], %swap3A_4 {strides = array<i32>} : memref<128xf32, #tpu.memory_space<vmem>>, vector<16xf32>,
    %broadcast_in_dim3A_5 = arith.constant 1.000000e+00 : f32
    %broadcast_in_dim3A_6 = vector.broadcast %broadcast_in_dim3A_5 : f32 to vector<16xf32>
    %swap3A_7 = arith.constant 16 : index
    %swap3A_8 = tpu.vector_load %arg12[%swap3A_7] {strides = array<i32>} : memref<128xf32, #tpu.memory_space<vmem>>, vector<16xf32>,
    %swap3A_9 = vector.shape_cast %swap3A_8 : vector<16xf32> to vector<16xf32>
    %swap3A_10 = vector.shape_cast %broadcast_in_dim3A_6 : vector<16xf32> to vector<16xf32>
    tpu.vector_store %arg12[%swap3A_7], %swap3A_10 {strides = array<i32>} : memref<128xf32, #tpu.memory_space<vmem>>, vector<16xf32>,
    %broadcast_in_dim3A_11 = arith.constant 1.000000e+00 : f32
    %broadcast_in_dim3A_12 = vector.broadcast %broadcast_in_dim3A_11 : f32 to vector<16xf32>
    %swap3A_13 = arith.constant 32 : index
    %swap3A_14 = tpu.vector_load %arg12[%swap3A_13] {strides = array<i32>} : memref<128xf32, #tpu.memory_space<vmem>>, vector<16xf32>,
    %swap3A_15 = vector.shape_cast %swap3A_14 : vector<16xf32> to vector<16xf32>
    %swap3A_16 = vector.shape_cast %broadcast_in_dim3A_12 : vector<16xf32> to vector<16xf32>
    tpu.vector_store %arg12[%swap3A_13], %swap3A_16 {strides = array<i32>} : memref<128xf32, #tpu.memory_space<vmem>>, vector<16xf32>,
    %broadcast_in_dim3A_17 = arith.constant 1.000000e+00 : f32
    %broadcast_in_dim3A_18 = vector.broadcast %broadcast_in_dim3A_17 : f32 to vector<16xf32>
    %swap3A_19 = arith.constant 48 : index
    %swap3A_20 = tpu.vector_load %arg12[%swap3A_19] {strides = array<i32>} : memref<128xf32, #tpu.memory_space<vmem>>, vector<16xf32>,
    %swap3A_21 = vector.shape_cast %swap3A_20 : vector<16xf32> to vector<16xf32>
    %swap3A_22 = vector.shape_cast %broadcast_in_dim3A_18 : vector<16xf32> to vector<16xf32>
    tpu.vector_store %arg12[%swap3A_19], %swap3A_22 {strides = array<i32>} : memref<128xf32, #tpu.memory_space<vmem>>, vector<16xf32>,
    %broadcast_in_dim3A_23 = arith.constant 1.000000e+00 : f32
    %broadcast_in_dim3A_24 = vector.broadcast %broadcast_in_dim3A_23 : f32 to vector<16xf32>
    %swap3A_25 = arith.constant 64 : index
    %swap3A_26 = tpu.vector_load %arg12[%swap3A_25] {strides = array<i32>} : memref<128xf32, #tpu.memory_space<vmem>>, vector<16xf32>,
    %swap3A_27 = vector.shape_cast %swap3A_26 : vector<16xf32> to vector<16xf32>
    %swap3A_28 = vector.shape_cast %broadcast_in_dim3A_24 : vector<16xf32> to vector<16xf32>
    tpu.vector_store %arg12[%swap3A_25], %swap3A_28 {strides = array<i32>} : memref<128xf32, #tpu.memory_space<vmem>>, vector<16xf32>,
    %broadcast_in_dim3A_29 = arith.constant 1.000000e+00 : f32
    %broadcast_in_dim3A_30 = vector.broadcast %broadcast_in_dim3A_29 : f32 to vector<16xf32>
    %swap3A_31 = arith.constant 80 : index
    %swap3A_32 = tpu.vector_load %arg12[%swap3A_31] {strides = array<i32>} : memref<128xf32, #tpu.memory_space<vmem>>, vector<16xf32>,
    %swap3A_33 = vector.shape_cast %swap3A_32 : vector<16xf32> to vector<16xf32>
    %swap3A_34 = vector.shape_cast %broadcast_in_dim3A_30 : vector<16xf32> to vector<16xf32>
    tpu.vector_store %arg12[%swap3A_31], %swap3A_34 {strides = array<i32>} : memref<128xf32, #tpu.memory_space<vmem>>, vector<16xf32>,
    %broadcast_in_dim3A_35 = arith.constant 1.000000e+00 : f32
    %broadcast_in_dim3A_36 = vector.broadcast %broadcast_in_dim3A_35 : f32 to vector<16xf32>
    %swap3A_37 = arith.constant 96 : index
    %swap3A_38 = tpu.vector_load %arg12[%swap3A_37] {strides = array<i32>} : memref<128xf32, #tpu.memory_space<vmem>>, vector<16xf32>,
    %swap3A_39 = vector.shape_cast %swap3A_38 : vector<16xf32> to vector<16xf32>
    %swap3A_40 = vector.shape_cast %broadcast_in_dim3A_36 : vector<16xf32> to vector<16xf32>
    tpu.vector_store %arg12[%swap3A_37], %swap3A_40 {strides = array<i32>} : memref<128xf32, #tpu.memory_space<vmem>>, vector<16xf32>,
    %broadcast_in_dim3A_41 = arith.constant 1.000000e+00 : f32
    %broadcast_in_dim3A_42 = vector.broadcast %broadcast_in_dim3A_41 : f32 to vector<16xf32>
    %swap3A_43 = arith.constant 112 : index
    %swap3A_44 = tpu.vector_load %arg12[%swap3A_43] {strides = array<i32>} : memref<128xf32, #tpu.memory_space<vmem>>, vector<16xf32>,
    %swap3A_45 = vector.shape_cast %swap3A_44 : vector<16xf32> to vector<16xf32>
    %swap3A_46 = vector.shape_cast %broadcast_in_dim3A_42 : vector<16xf32> to vector<16xf32>
    tpu.vector_store %arg12[%swap3A_43], %swap3A_46 {strides = array<i32>} : memref<128xf32, #tpu.memory_space<vmem>>, vector<16xf32>,
    %barrier3A = arith.constant 0 : index
    tpu.barrier barrier_id(%barrier3A)
    %scan3A = arith.constant 0 : i32
    %scan3A_47 = arith.constant 0 : i32
    %scan3A_48 = arith.constant 79 : i32
    %scan3A_49 = arith.addi %scan3A_47, %scan3A_48 : i32
    %scan3A_50 = arith.constant 1 : i32
    scf.for %scan3A_61 = %scan3A_47 to %scan3A_49 step %scan3A_50  : i32 {
      %dma_start3A = arith.constant 0 : i32
      %dma_start3A_62 = tpu.memref_slice %arg9[%scan3A_61, %dma_start3A] : memref<79x128xi32, #tpu.memory_space<vmem>> -> memref<1x128xi32, #tpu.memory_space<vmem>>
      %dma_start3A_63 = tpu.memref_squeeze %dma_start3A_62 : memref<1x128xi32, #tpu.memory_space<vmem>> -> memref<128xi32, #tpu.memory_space<vmem>>
      %dma_start3A_64 = arith.constant 0 : i32
      %dma_start3A_65 = arith.constant 0 : i32
      %dma_start3A_66 = tpu.memref_slice %arg2[%dma_start3A_64, %dma_start3A_65] : memref<10000x128xf32, #tpu.memory_space<hbm>> -> memref<10000x128xf32, #tpu.memory_space<hbm>>
      tpu.enqueue_indirect_dma source(%dma_start3A_66 : memref<10000x128xf32, #tpu.memory_space<hbm>>) target(%arg11 : memref<128x128xf32, #tpu.memory_space<vmem>>) offsets(%dma_start3A_63 : memref<128xi32, #tpu.memory_space<vmem>>) semaphore(%arg16 : memref<!tpu.dma_semaphore, #tpu.memory_space<semaphore_mem>>)
      %dma_wait3A = arith.constant 0 : i32
      %dma_wait3A_67 = tpu.memref_slice %arg9[%scan3A_61, %dma_wait3A] : memref<79x128xi32, #tpu.memory_space<vmem>> -> memref<1x128xi32, #tpu.memory_space<vmem>>
      %dma_wait3A_68 = tpu.memref_squeeze %dma_wait3A_67 : memref<1x128xi32, #tpu.memory_space<vmem>> -> memref<128xi32, #tpu.memory_space<vmem>>
      %dma_wait3A_69 = arith.constant 0 : i32
      %dma_wait3A_70 = arith.constant 0 : i32
      %dma_wait3A_71 = tpu.memref_slice %arg2[%dma_wait3A_69, %dma_wait3A_70] : memref<10000x128xf32, #tpu.memory_space<hbm>> -> memref<10000x128xf32, #tpu.memory_space<hbm>>
      tpu.wait_indirect_dma semaphore(%arg16 : memref<!tpu.dma_semaphore, #tpu.memory_space<semaphore_mem>>) src(%dma_wait3A_71 : memref<10000x128xf32, #tpu.memory_space<hbm>>) dst(%arg11 : memref<128x128xf32, #tpu.memory_space<vmem>>)
      %dma_start3A_72 = arith.constant 0 : i32
      %dma_start3A_73 = tpu.memref_slice %arg10[%scan3A_61, %dma_start3A_72] : memref<79x128xi32, #tpu.memory_space<vmem>> -> memref<1x128xi32, #tpu.memory_space<vmem>>
      %dma_start3A_74 = tpu.memref_squeeze %dma_start3A_73 : memref<1x128xi32, #tpu.memory_space<vmem>> -> memref<128xi32, #tpu.memory_space<vmem>>
      %dma_start3A_75 = arith.constant 0 : i32
      %dma_start3A_76 = tpu.memref_slice %arg15[%dma_start3A_75] : memref<10112xf32, #tpu.memory_space<vmem_shared>> -> memref<10112xf32, #tpu.memory_space<vmem_shared>>
      tpu.enqueue_indirect_dma source(%arg12 : memref<128xf32, #tpu.memory_space<vmem>>) target(%dma_start3A_76 : memref<10112xf32, #tpu.memory_space<vmem_shared>>) offsets(%dma_start3A_74 : memref<128xi32, #tpu.memory_space<vmem>>) semaphore(%arg17 : memref<!tpu.dma_semaphore, #tpu.memory_space<semaphore_mem>>) {add = true}
      "tpu.region"() ({
        %run_scoped3A = tpu.sem_alloc : memref<!tpu.dma_semaphore, #tpu.memory_space<semaphore_mem>>
        %dma_start3A_77 = arith.constant 0 : i32
        %dma_start3A_78 = tpu.memref_slice %arg10[%scan3A_61, %dma_start3A_77] : memref<79x128xi32, #tpu.memory_space<vmem>> -> memref<1x128xi32, #tpu.memory_space<vmem>>
        %dma_start3A_79 = tpu.memref_squeeze %dma_start3A_78 : memref<1x128xi32, #tpu.memory_space<vmem>> -> memref<128xi32, #tpu.memory_space<vmem>>
        %dma_start3A_80 = arith.constant 0 : i32
        %dma_start3A_81 = arith.constant 0 : i32
        %dma_start3A_82 = tpu.memref_slice %arg14[%dma_start3A_80, %dma_start3A_81] : memref<10112x128xf32, #tpu.memory_space<vmem_shared>> -> memref<10112x128xf32, #tpu.memory_space<vmem_shared>>
        tpu.enqueue_indirect_dma source(%arg11 : memref<128x128xf32, #tpu.memory_space<vmem>>) target(%dma_start3A_82 : memref<10112x128xf32, #tpu.memory_space<vmem_shared>>) offsets(%dma_start3A_79 : memref<128xi32, #tpu.memory_space<vmem>>) semaphore(%run_scoped3A : memref<!tpu.dma_semaphore, #tpu.memory_space<semaphore_mem>>) {add = true}
        %dma_wait3A_83 = arith.constant 0 : i32
        %dma_wait3A_84 = tpu.memref_slice %arg10[%scan3A_61, %dma_wait3A_83] : memref<79x128xi32, #tpu.memory_space<vmem>> -> memref<1x128xi32, #tpu.memory_space<vmem>>
        %dma_wait3A_85 = tpu.memref_squeeze %dma_wait3A_84 : memref<1x128xi32, #tpu.memory_space<vmem>> -> memref<128xi32, #tpu.memory_space<vmem>>
        %dma_wait3A_86 = arith.constant 0 : i32
        %dma_wait3A_87 = arith.constant 0 : i32
        %dma_wait3A_88 = tpu.memref_slice %arg14[%dma_wait3A_86, %dma_wait3A_87] : memref<10112x128xf32, #tpu.memory_space<vmem_shared>> -> memref<10112x128xf32, #tpu.memory_space<vmem_shared>>
        tpu.wait_indirect_dma semaphore(%run_scoped3A : memref<!tpu.dma_semaphore, #tpu.memory_space<semaphore_mem>>) src(%arg11 : memref<128x128xf32, #tpu.memory_space<vmem>>) dst(%dma_wait3A_88 : memref<10112x128xf32, #tpu.memory_space<vmem_shared>>)
        tpu.yield
      }) : () -> ()
    }
    %scan3A_51 = arith.constant 79 : i32
    %scan3A_52 = arith.constant 0 : i32
    %scan3A_53 = arith.constant 0 : i32
    %scan3A_54 = arith.constant 79 : i32
    %scan3A_55 = arith.addi %scan3A_53, %scan3A_54 : i32
    %scan3A_56 = arith.constant 1 : i32
    scf.for %scan3A_61 = %scan3A_53 to %scan3A_55 step %scan3A_56  : i32 {
      %dma_wait3A = arith.constant 0 : i32
      %dma_wait3A_62 = tpu.memref_slice %arg10[%scan3A_61, %dma_wait3A] : memref<79x128xi32, #tpu.memory_space<vmem>> -> memref<1x128xi32, #tpu.memory_space<vmem>>
      %dma_wait3A_63 = tpu.memref_squeeze %dma_wait3A_62 : memref<1x128xi32, #tpu.memory_space<vmem>> -> memref<128xi32, #tpu.memory_space<vmem>>
      %dma_wait3A_64 = arith.constant 0 : i32
      %dma_wait3A_65 = tpu.memref_slice %arg15[%dma_wait3A_64] : memref<10112xf32, #tpu.memory_space<vmem_shared>> -> memref<10112xf32, #tpu.memory_space<vmem_shared>>
      tpu.wait_indirect_dma semaphore(%arg17 : memref<!tpu.dma_semaphore, #tpu.memory_space<semaphore_mem>>) src(%arg12 : memref<128xf32, #tpu.memory_space<vmem>>) dst(%dma_wait3A_65 : memref<10112xf32, #tpu.memory_space<vmem_shared>>)
    }
    %scan3A_57 = arith.constant 79 : i32
    %barrier3A_58 = arith.constant 0 : index
    tpu.barrier barrier_id(%barrier3A_58)
    "tpu.region"() ({
      %run_scoped3A = tpu.sem_alloc : memref<!tpu.dma_semaphore, #tpu.memory_space<semaphore_mem>>
      %dma_start3A = arith.constant 0 : i32
      %dma_start3A_61 = tpu.memref_slice %arg7[%arg0, %mul3A_0, %dma_start3A] : memref<2x10112x128xf32, #tpu.memory_space<hbm>> -> memref<1x632x128xf32, #tpu.memory_space<hbm>>
      %dma_start3A_62 = tpu.memref_squeeze %dma_start3A_61 : memref<1x632x128xf32, #tpu.memory_space<hbm>> -> memref<632x128xf32, #tpu.memory_space<hbm>>
      %dma_start3A_63 = arith.constant 0 : i32
      %dma_start3A_64 = tpu.memref_slice %arg14[%mul3A_0, %dma_start3A_63] : memref<10112x128xf32, #tpu.memory_space<vmem_shared>> -> memref<632x128xf32, #tpu.memory_space<vmem_shared>>
      tpu.enqueue_dma source(%dma_start3A_64 : memref<632x128xf32, #tpu.memory_space<vmem_shared>>) target(%dma_start3A_62 : memref<632x128xf32, #tpu.memory_space<hbm>>) target_semaphore(%run_scoped3A : memref<!tpu.dma_semaphore, #tpu.memory_space<semaphore_mem>>)
      %dma_wait3A = arith.constant 0 : i32
      %dma_wait3A_65 = tpu.memref_slice %arg7[%arg0, %mul3A_0, %dma_wait3A] : memref<2x10112x128xf32, #tpu.memory_space<hbm>> -> memref<1x632x128xf32, #tpu.memory_space<hbm>>
      %dma_wait3A_66 = tpu.memref_squeeze %dma_wait3A_65 : memref<1x632x128xf32, #tpu.memory_space<hbm>> -> memref<632x128xf32, #tpu.memory_space<hbm>>
      %dma_wait3A_67 = arith.constant 0 : i32
      %dma_wait3A_68 = tpu.memref_slice %arg14[%mul3A_0, %dma_wait3A_67] : memref<10112x128xf32, #tpu.memory_space<vmem_shared>> -> memref<632x128xf32, #tpu.memory_space<vmem_shared>>
      tpu.wait_dma2 semaphore(%run_scoped3A : memref<!tpu.dma_semaphore, #tpu.memory_space<semaphore_mem>>) src(%dma_wait3A_68 : memref<632x128xf32, #tpu.memory_space<vmem_shared>>) dst(%dma_wait3A_66 : memref<632x128xf32, #tpu.memory_space<hbm>>)
      tpu.yield
    }) : () -> ()
    "tpu.region"() ({
      %run_scoped3A = tpu.sem_alloc : memref<!tpu.dma_semaphore, #tpu.memory_space<semaphore_mem>>
      %dma_start3A = tpu.memref_slice %arg15[%mul3A_0] : memref<10112xf32, #tpu.memory_space<vmem_shared>> -> memref<632xf32, #tpu.memory_space<vmem_shared>>
      %dma_start3A_61 = tpu.memref_slice %arg15[%mul3A_0] : memref<10112xf32, #tpu.memory_space<vmem_shared>> -> memref<632xf32, #tpu.memory_space<vmem_shared>>
      tpu.enqueue_dma source(%dma_start3A_61 : memref<632xf32, #tpu.memory_space<vmem_shared>>) target(%arg13 : memref<632xf32, #tpu.memory_space<vmem>>) target_semaphore(%run_scoped3A : memref<!tpu.dma_semaphore, #tpu.memory_space<semaphore_mem>>)
      %dma_wait3A = tpu.memref_slice %arg15[%mul3A_0] : memref<10112xf32, #tpu.memory_space<vmem_shared>> -> memref<632xf32, #tpu.memory_space<vmem_shared>>
      %dma_wait3A_62 = tpu.memref_slice %arg15[%mul3A_0] : memref<10112xf32, #tpu.memory_space<vmem_shared>> -> memref<632xf32, #tpu.memory_space<vmem_shared>>
      tpu.wait_dma2 semaphore(%run_scoped3A : memref<!tpu.dma_semaphore, #tpu.memory_space<semaphore_mem>>) src(%dma_wait3A_62 : memref<632xf32, #tpu.memory_space<vmem_shared>>) dst(%arg13 : memref<632xf32, #tpu.memory_space<vmem>>)
      tpu.yield
    }) : () -> ()
    %mul3A_59 = arith.constant 10112 : i32
    %mul3A_60 = arith.muli %arg0, %mul3A_59 : i32
    %add3A = arith.addi %mul3A_60, %mul3A_0 : i32
    "tpu.region"() ({
      %run_scoped3A = tpu.sem_alloc : memref<!tpu.dma_semaphore, #tpu.memory_space<semaphore_mem>>
      %dma_start3A = tpu.memref_slice %arg8[%add3A] : memref<20224xf32, #tpu.memory_space<hbm>> -> memref<632xf32, #tpu.memory_space<hbm>>
      %dma_start3A_61 = tpu.memref_slice %arg8[%add3A] : memref<20224xf32, #tpu.memory_space<hbm>> -> memref<632xf32, #tpu.memory_space<hbm>>
      tpu.enqueue_dma source(%arg13 : memref<632xf32, #tpu.memory_space<vmem>>) target(%dma_start3A_61 : memref<632xf32, #tpu.memory_space<hbm>>) target_semaphore(%run_scoped3A : memref<!tpu.dma_semaphore, #tpu.memory_space<semaphore_mem>>)
      %dma_wait3A = tpu.memref_slice %arg8[%add3A] : memref<20224xf32, #tpu.memory_space<hbm>> -> memref<632xf32, #tpu.memory_space<hbm>>
      %dma_wait3A_62 = tpu.memref_slice %arg8[%add3A] : memref<20224xf32, #tpu.memory_space<hbm>> -> memref<632xf32, #tpu.memory_space<hbm>>
      tpu.wait_dma2 semaphore(%run_scoped3A : memref<!tpu.dma_semaphore, #tpu.memory_space<semaphore_mem>>) src(%arg13 : memref<632xf32, #tpu.memory_space<vmem>>) dst(%dma_wait3A_62 : memref<632xf32, #tpu.memory_space<hbm>>)
      tpu.yield
    }) : () -> ()
    return
  }
}

module attributes {stable_mosaic.version = 14 : i64} {
  func.func @_dense_body(%arg0: memref<10112x128xf32, #tpu.memory_space<vmem>>, %arg1: memref<2x10112x128xf32, #tpu.memory_space<vmem>>, %arg2: memref<2x10112xf32, #tpu.memory_space<vmem>>, %arg3: memref<128x128xf32, #tpu.memory_space<vmem>>, %arg4: memref<128xf32, #tpu.memory_space<vmem>>, %arg5: memref<128x128xf32, #tpu.memory_space<vmem>>, %arg6: memref<128xf32, #tpu.memory_space<vmem>>, %arg7: memref<10112x128xf32, #tpu.memory_space<vmem>>) attributes {dimension_semantics = [], scalar_prefetch = 0 : i64, scratch_operands = 0 : i64, tpu.core_type = #tpu.core_type<tc>} {
    %get3A = arith.constant 0 : index
    %get3A_0 = arith.constant 0 : index
    %get3A_1 = vector.load %arg2[%get3A, %get3A_0] : memref<2x10112xf32, #tpu.memory_space<vmem>>, vector<1x10112xf32>
    %get3A_2 = vector.shape_cast %get3A_1 : vector<1x10112xf32> to vector<10112xf32>
    %get3A_3 = arith.constant 1 : index
    %get3A_4 = arith.constant 0 : index
    %get3A_5 = vector.load %arg2[%get3A_3, %get3A_4] : memref<2x10112xf32, #tpu.memory_space<vmem>>, vector<1x10112xf32>
    %get3A_6 = vector.shape_cast %get3A_5 : vector<1x10112xf32> to vector<10112xf32>
    %add3A = arith.addf %get3A_2, %get3A_6 : vector<10112xf32>
    %max3A = arith.constant 1.000000e+00 : f32
    %max3A_7 = vector.broadcast %max3A : f32 to vector<10112xf32>
    %max3A_8 = arith.maximumf %add3A, %max3A_7 : vector<10112xf32>
    %get3A_9 = arith.constant 0 : index
    %get3A_10 = arith.constant 0 : index
    %get3A_11 = arith.constant 0 : index
    %get3A_12 = vector.load %arg1[%get3A_9, %get3A_10, %get3A_11] : memref<2x10112x128xf32, #tpu.memory_space<vmem>>, vector<1x10112x128xf32>
    %get3A_13 = vector.shape_cast %get3A_12 : vector<1x10112x128xf32> to vector<10112x128xf32>
    %get3A_14 = arith.constant 1 : index
    %get3A_15 = arith.constant 0 : index
    %get3A_16 = arith.constant 0 : index
    %get3A_17 = vector.load %arg1[%get3A_14, %get3A_15, %get3A_16] : memref<2x10112x128xf32, #tpu.memory_space<vmem>>, vector<1x10112x128xf32>
    %get3A_18 = vector.shape_cast %get3A_17 : vector<1x10112x128xf32> to vector<10112x128xf32>
    %add3A_19 = arith.addf %get3A_13, %get3A_18 : vector<10112x128xf32>
    %broadcast_in_dim3A = vector.shape_cast %max3A_8 : vector<10112xf32> to vector<10112x1xf32>
    %div3A = vector.broadcast %broadcast_in_dim3A : vector<10112x1xf32> to vector<10112x128xf32>
    %div3A_20 = arith.divf %add3A_19, %div3A : vector<10112x128xf32>
    %get3A_21 = arith.constant 0 : index
    %get3A_22 = arith.constant 0 : index
    %get3A_23 = vector.load %arg0[%get3A_21, %get3A_22] : memref<10112x128xf32, #tpu.memory_space<vmem>>, vector<10112x128xf32>
    %get3A_24 = arith.constant 0 : index
    %get3A_25 = arith.constant 0 : index
    %get3A_26 = vector.load %arg3[%get3A_24, %get3A_25] : memref<128x128xf32, #tpu.memory_space<vmem>>, vector<128x128xf32>
    %dot_general3A = arith.constant dense<0.000000e+00> : vector<10112x128xf32>
    %dot_general3A_27 = tpu.matmul %get3A_23, %get3A_26, %dot_general3A {dimension_numbers = #tpu.dot_dimension_numbers<[1], [0], [0], [1], [0, 0, 1, 1], [], []>, transpose_lhs_hint = false} : vector<10112x128xf32>, vector<128x128xf32>, vector<10112x128xf32> -> vector<10112x128xf32>
    %get3A_28 = arith.constant 0 : index
    %get3A_29 = arith.constant 0 : index
    %get3A_30 = vector.load %arg5[%get3A_28, %get3A_29] : memref<128x128xf32, #tpu.memory_space<vmem>>, vector<128x128xf32>
    %dot_general3A_31 = arith.constant dense<0.000000e+00> : vector<10112x128xf32>
    %dot_general3A_32 = tpu.matmul %div3A_20, %get3A_30, %dot_general3A_31 {dimension_numbers = #tpu.dot_dimension_numbers<[1], [0], [0], [1], [0, 0, 1, 1], [], []>, transpose_lhs_hint = false} : vector<10112x128xf32>, vector<128x128xf32>, vector<10112x128xf32> -> vector<10112x128xf32>
    %add3A_33 = arith.addf %dot_general3A_27, %dot_general3A_32 : vector<10112x128xf32>
    %get3A_34 = arith.constant 0 : index
    %get3A_35 = vector.load %arg4[%get3A_34] : memref<128xf32, #tpu.memory_space<vmem>>, vector<128xf32>
    %broadcast_in_dim3A_36 = vector.shape_cast %get3A_35 : vector<128xf32> to vector<1x128xf32>
    %add3A_37 = vector.broadcast %broadcast_in_dim3A_36 : vector<1x128xf32> to vector<10112x128xf32>
    %add3A_38 = arith.addf %add3A_33, %add3A_37 : vector<10112x128xf32>
    %get3A_39 = arith.constant 0 : index
    %get3A_40 = vector.load %arg6[%get3A_39] : memref<128xf32, #tpu.memory_space<vmem>>, vector<128xf32>
    %broadcast_in_dim3A_41 = vector.shape_cast %get3A_40 : vector<128xf32> to vector<1x128xf32>
    %add3A_42 = vector.broadcast %broadcast_in_dim3A_41 : vector<1x128xf32> to vector<10112x128xf32>
    %add3A_43 = arith.addf %add3A_38, %add3A_42 : vector<10112x128xf32>
    %max3A_44 = arith.constant 0.000000e+00 : f32
    %max3A_45 = vector.broadcast %max3A_44 : f32 to vector<10112x128xf32>
    %max3A_46 = arith.maximumf %add3A_43, %max3A_45 : vector<10112x128xf32>
    %swap3A = arith.constant 0 : index
    %swap3A_47 = arith.constant 0 : index
    %swap3A_48 = vector.load %arg7[%swap3A, %swap3A_47] : memref<10112x128xf32, #tpu.memory_space<vmem>>, vector<10112x128xf32>
    tpu.vector_store %arg7[%swap3A, %swap3A_47], %max3A_46 {strides = array<i32>} : memref<10112x128xf32, #tpu.memory_space<vmem>>, vector<10112x128xf32>,
    return
  }
}

module attributes {stable_mosaic.version = 14 : i64} {
  func.func @_dense_body(%arg0: memref<10112x128xf32, #tpu.memory_space<vmem>>, %arg1: memref<2x10112x128xf32, #tpu.memory_space<vmem>>, %arg2: memref<2x10112xf32, #tpu.memory_space<vmem>>, %arg3: memref<128x128xf32, #tpu.memory_space<vmem>>, %arg4: memref<128xf32, #tpu.memory_space<vmem>>, %arg5: memref<128x128xf32, #tpu.memory_space<vmem>>, %arg6: memref<128xf32, #tpu.memory_space<vmem>>, %arg7: memref<10112x128xf32, #tpu.memory_space<vmem>>) attributes {dimension_semantics = [], scalar_prefetch = 0 : i64, scratch_operands = 0 : i64, tpu.core_type = #tpu.core_type<tc>} {
    %get3A = arith.constant 0 : index
    %get3A_0 = arith.constant 0 : index
    %get3A_1 = vector.load %arg2[%get3A, %get3A_0] : memref<2x10112xf32, #tpu.memory_space<vmem>>, vector<1x10112xf32>
    %get3A_2 = vector.shape_cast %get3A_1 : vector<1x10112xf32> to vector<10112xf32>
    %get3A_3 = arith.constant 1 : index
    %get3A_4 = arith.constant 0 : index
    %get3A_5 = vector.load %arg2[%get3A_3, %get3A_4] : memref<2x10112xf32, #tpu.memory_space<vmem>>, vector<1x10112xf32>
    %get3A_6 = vector.shape_cast %get3A_5 : vector<1x10112xf32> to vector<10112xf32>
    %add3A = arith.addf %get3A_2, %get3A_6 : vector<10112xf32>
    %max3A = arith.constant 1.000000e+00 : f32
    %max3A_7 = vector.broadcast %max3A : f32 to vector<10112xf32>
    %max3A_8 = arith.maximumf %add3A, %max3A_7 : vector<10112xf32>
    %get3A_9 = arith.constant 0 : index
    %get3A_10 = arith.constant 0 : index
    %get3A_11 = arith.constant 0 : index
    %get3A_12 = vector.load %arg1[%get3A_9, %get3A_10, %get3A_11] : memref<2x10112x128xf32, #tpu.memory_space<vmem>>, vector<1x10112x128xf32>
    %get3A_13 = vector.shape_cast %get3A_12 : vector<1x10112x128xf32> to vector<10112x128xf32>
    %get3A_14 = arith.constant 1 : index
    %get3A_15 = arith.constant 0 : index
    %get3A_16 = arith.constant 0 : index
    %get3A_17 = vector.load %arg1[%get3A_14, %get3A_15, %get3A_16] : memref<2x10112x128xf32, #tpu.memory_space<vmem>>, vector<1x10112x128xf32>
    %get3A_18 = vector.shape_cast %get3A_17 : vector<1x10112x128xf32> to vector<10112x128xf32>
    %add3A_19 = arith.addf %get3A_13, %get3A_18 : vector<10112x128xf32>
    %broadcast_in_dim3A = vector.shape_cast %max3A_8 : vector<10112xf32> to vector<10112x1xf32>
    %div3A = vector.broadcast %broadcast_in_dim3A : vector<10112x1xf32> to vector<10112x128xf32>
    %div3A_20 = arith.divf %add3A_19, %div3A : vector<10112x128xf32>
    %get3A_21 = arith.constant 0 : index
    %get3A_22 = arith.constant 0 : index
    %get3A_23 = vector.load %arg0[%get3A_21, %get3A_22] : memref<10112x128xf32, #tpu.memory_space<vmem>>, vector<10112x128xf32>
    %get3A_24 = arith.constant 0 : index
    %get3A_25 = arith.constant 0 : index
    %get3A_26 = vector.load %arg3[%get3A_24, %get3A_25] : memref<128x128xf32, #tpu.memory_space<vmem>>, vector<128x128xf32>
    %dot_general3A = arith.constant dense<0.000000e+00> : vector<10112x128xf32>
    %dot_general3A_27 = tpu.matmul %get3A_23, %get3A_26, %dot_general3A {dimension_numbers = #tpu.dot_dimension_numbers<[1], [0], [0], [1], [0, 0, 1, 1], [], []>, transpose_lhs_hint = false} : vector<10112x128xf32>, vector<128x128xf32>, vector<10112x128xf32> -> vector<10112x128xf32>
    %get3A_28 = arith.constant 0 : index
    %get3A_29 = arith.constant 0 : index
    %get3A_30 = vector.load %arg5[%get3A_28, %get3A_29] : memref<128x128xf32, #tpu.memory_space<vmem>>, vector<128x128xf32>
    %dot_general3A_31 = arith.constant dense<0.000000e+00> : vector<10112x128xf32>
    %dot_general3A_32 = tpu.matmul %div3A_20, %get3A_30, %dot_general3A_31 {dimension_numbers = #tpu.dot_dimension_numbers<[1], [0], [0], [1], [0, 0, 1, 1], [], []>, transpose_lhs_hint = false} : vector<10112x128xf32>, vector<128x128xf32>, vector<10112x128xf32> -> vector<10112x128xf32>
    %add3A_33 = arith.addf %dot_general3A_27, %dot_general3A_32 : vector<10112x128xf32>
    %get3A_34 = arith.constant 0 : index
    %get3A_35 = vector.load %arg4[%get3A_34] : memref<128xf32, #tpu.memory_space<vmem>>, vector<128xf32>
    %broadcast_in_dim3A_36 = vector.shape_cast %get3A_35 : vector<128xf32> to vector<1x128xf32>
    %add3A_37 = vector.broadcast %broadcast_in_dim3A_36 : vector<1x128xf32> to vector<10112x128xf32>
    %add3A_38 = arith.addf %add3A_33, %add3A_37 : vector<10112x128xf32>
    %get3A_39 = arith.constant 0 : index
    %get3A_40 = vector.load %arg6[%get3A_39] : memref<128xf32, #tpu.memory_space<vmem>>, vector<128xf32>
    %broadcast_in_dim3A_41 = vector.shape_cast %get3A_40 : vector<128xf32> to vector<1x128xf32>
    %add3A_42 = vector.broadcast %broadcast_in_dim3A_41 : vector<1x128xf32> to vector<10112x128xf32>
    %add3A_43 = arith.addf %add3A_38, %add3A_42 : vector<10112x128xf32>
    %swap3A = arith.constant 0 : index
    %swap3A_44 = arith.constant 0 : index
    %swap3A_45 = vector.load %arg7[%swap3A, %swap3A_44] : memref<10112x128xf32, #tpu.memory_space<vmem>>, vector<10112x128xf32>
    tpu.vector_store %arg7[%swap3A, %swap3A_44], %add3A_43 {strides = array<i32>} : memref<10112x128xf32, #tpu.memory_space<vmem>>, vector<10112x128xf32>,
    return
  }
}

</mosaic_0001>

<sc_bundles>
// kernel: kernel.6.cloned.1.call-start
scs
__scs_entry_jumppad:
0x0: {  	(pc) =	sbr.rel $0x88, $3  }
0x1: {  	(tag) =	ssettag $0x0;
	lr =	simm.s32 $0x1  }
0x2: {  	[smem:$0x3F96] =	sst lr;
	_ =	strace $0xD0000000  }
0x3: {  	_ = 	snop  }
0x4: {  	_ = 	snop  }
0x5: {  	_ = 	snop  }
0x6: {  	_ = 	snop  }
0x7: {  	_ = 	snop  }
__scs_overlays_trampoline_lowered:
0x8: {  	[smem:$0x3FA5] =	sst s0  }
0x9: {  	[smem:$0x3FA6] =	sst s1  }
0xa: {  	[smem:$0x3FA7] =	sst s2  }
0xb: {  	[smem:$0x3FA8] =	sst s3  }
0xc: {  	[smem:$0x3FA9] =	sst s4  }
0xd: {  	[smem:$0x3FAA] =	sst s5  }
0xe: {  	[smem:$0x3FAB] =	sst s6  }
0xf: {  	[smem:$0x3FAC] =	sst s7  }
0x10: {  	[smem:$0x3FAD] =	sst s8  }
0x11: {  	[smem:$0x3FAE] =	sst s9;
	s0 =	simm.s32 @!p0 $0x0  }
0x12: {  	s1 =	sld [smem:$0x3F94];
	s0 =	simm.s32 @p0 $0x1  }
0x13: {  	[smem:$0x3FAF] =	sst s0;
	s0 =	simm.s32 @!p1 $0x0  }
0x14: {  	s2 =	sld [smem:$0x3F93];
	s0 =	simm.s32 @p1 $0x1  }
0x15: {  	[smem:$0x3FB0] =	sst s0;
	s0 =	simm.s32 @!p2 $0x0  }
0x16: {  	s3 =	sld [smem:$0x3FDB];
	s0 =	simm.s32 @p2 $0x1  }
0x17: {  	s4 =	simm.s32 $0x1BF5;
	[smem:$0x3FB2] =	sst s0  }
0x18: {  	s0 =	sld [smem:$0x3F95];
	_ =	swait.ge [sflag:s4], $0x0  }
0x19: {  	s7 =	sld [smem:$0x3F96]  }
0x1a: {  	s8 =	sadd.s32 $0xFFFFE003, lr  }
0x1b: {  	s9 =	sadd.s32 $0xFFFFFEF7, lr;
	s5 =	simm.s32 $0xFFFFFFFF;
	p2 =	slt.u32 s8, $0xFFFFF086  }
0x1c: {  	p1 =	slt.u32 s9, $0xF7A;
	s5 =	simm.s32 @!p2 $0x0  }
0x1d: {  	s5 =	simm.s32 @p1 $0x1;
	p0 =	seq.s32 s7, s2  }
0x1e: {  	s7 =	smul.u32 @!p0 $0xF7A, s2;
	p2 =	seq.s32 @!p0 s5, $0x0  }
0x1f: {  	s9 =	smul.u32 $0xF7A, s1;
	s8 =	simm.s32 @!p0 $0x1BF5;
	p2 =	por !p2, p0  }
0x20: {  	[sflag:s8] =	ssyncset.s32 @!p0 $0xFFFFF086;
	s6 =	sadd.s32 @!p0 s3, s7;
	s7 =	simm.s32 @!p0 $0x108  }
0x21: {  	s3 =	sadd.s32 s3, s9;
	s6 =	sadd.s32 @!p0 $0x88, s6;
	s7 =	simm.s32 @p2 $0x1082  }
0x22: {  	[simem:s7], [sflag:s8] =	dma.local @!p0 [hbm:s6], $0xF7A  }
0x23: {  	s9 =	sor.u32 $0xD0000000, s2;
	s6 =	simm.s32 $0x108;
	_ =	swait.ge @!p0 [sflag:s8], $0x0  }
0x24: {  	s3 =	sadd.s32 $0x88, s3;
	s6 =	simm.s32 @!p1 $0x1082;
	[sflag:s4] =	ssyncset.s32 $0xFFFFF086  }
0x25: {  	[simem:s6], [sflag:s4] =	dma.local [hbm:s3], $0xF7A  }
0x26: {  	[smem:$0x3F96] =	sst s1;
	(tag) =	ssettag s2;
	_ =	strace s9  }
0x27: {  	s1 =	sld [smem:$0x3FA6]  }
0x28: {  	s2 =	sld [smem:$0x3FA7]  }
0x29: {  	s4 =	sld [smem:$0x3FA9]  }
0x2a: {  	p0 =	seq.s32 s5, $0x0;
	s5 =	sld [smem:$0x3FAA]  }
0x2b: {  	s6 =	sld [smem:$0x3FAB]  }
0x2c: {  	s7 =	sld [smem:$0x3FAC]  }
0x2d: {  	s3 =	simm.s32 $0x108;
	s8 =	sld [smem:$0x3FAD]  }
0x2e: {  	s3 =	simm.s32 @!p0 $0x1082;
	s9 =	sld [smem:$0x3FAE]  }
0x2f: {  	lr =	sadd.s32 s0, s3;
	s0 =	sld [smem:$0x3FA5]  }
0x30: {  	s3 =	sld [smem:$0x3FA8]  }
0x31: {  	[smem:$0x3FB1] =	sst s10  }
0x32: {  	s10 =	sld [smem:$0x3FAF];
	_ =	sdelay $0x3  }
0x33: {  	p0 =	seq.s32 s10, $0x1;
	s10 =	sld [smem:$0x3FB1];
	_ =	sdelay $0x3  }
0x34: {  	[smem:$0x3FB1] =	sst s10  }
0x35: {  	s10 =	sld [smem:$0x3FB0];
	_ =	sdelay $0x3  }
0x36: {  	p1 =	seq.s32 s10, $0x1;
	s10 =	sld [smem:$0x3FB1];
	_ =	sdelay $0x3  }
0x37: {  	[smem:$0x3FB1] =	sst s10  }
0x38: {  	s10 =	sld [smem:$0x3FB2]  }
0x39: {  	_ = 	snop;
	(pc) =	sbr.ind lr, $3  }
0x3a: {  	_ = 	snop  }
0x3b: {  	_ = 	snop  }
0x3c: {  	p2 =	seq.s32 s10, $0x1;
	s10 =	sld [smem:$0x3FB1]  }
0x3d: {  	_ =	shalt  }
0x3e: {  	_ =	shalt  }
0x3f: {  	_ =	shalt  }
0x40: {  	_ =	shalt  }
0x41: {  	_ =	shalt  }
0x42: {  	_ =	shalt  }
0x43: {  	_ =	shalt  }
0x44: {  	_ =	shalt  }
0x45: {  	_ =	shalt  }
0x46: {  	_ =	shalt  }
0x47: {  	_ =	shalt  }
0x48: {  	_ =	shalt  }
0x49: {  	_ =	shalt  }
0x4a: {  	_ =	shalt  }
0x4b: {  	_ =	shalt  }
0x4c: {  	_ =	shalt  }
0x4d: {  	_ =	shalt  }
0x4e: {  	_ =	shalt  }
0x4f: {  	_ =	shalt  }
0x50: {  	_ =	shalt  }
0x51: {  	_ =	shalt  }
0x52: {  	_ =	shalt  }
0x53: {  	_ =	shalt  }
0x54: {  	_ =	shalt  }
0x55: {  	_ =	shalt  }
0x56: {  	_ =	shalt  }
0x57: {  	_ =	shalt  }
0x58: {  	_ =	shalt  }
0x59: {  	_ =	shalt  }
0x5a: {  	_ =	shalt  }
0x5b: {  	_ =	shalt  }
0x5c: {  	_ =	shalt  }
0x5d: {  	_ =	shalt  }
0x5e: {  	_ =	shalt  }
0x5f: {  	_ =	shalt  }
0x60: {  	_ =	shalt  }
0x61: {  	_ =	shalt  }
0x62: {  	_ =	shalt  }
0x63: {  	_ =	shalt  }
0x64: {  	_ =	shalt  }
0x65: {  	_ =	shalt  }
0x66: {  	_ =	shalt  }
0x67: {  	_ =	shalt  }
0x68: {  	_ =	shalt  }
0x69: {  	_ =	shalt  }
0x6a: {  	_ =	shalt  }
0x6b: {  	_ =	shalt  }
0x6c: {  	_ =	shalt  }
0x6d: {  	_ =	shalt  }
0x6e: {  	_ =	shalt  }
0x6f: {  	_ =	shalt  }
0x70: {  	_ =	shalt  }
0x71: {  	_ =	shalt  }
0x72: {  	_ =	shalt  }
0x73: {  	_ =	shalt  }
0x74: {  	_ =	shalt  }
0x75: {  	_ =	shalt  }
0x76: {  	_ =	shalt  }
0x77: {  	_ =	shalt  }
0x78: {  	_ =	shalt  }
0x79: {  	_ =	shalt  }
0x7a: {  	_ =	shalt  }
0x7b: {  	_ =	shalt  }
0x7c: {  	_ =	shalt  }
0x7d: {  	_ =	shalt  }
0x7e: {  	_ =	shalt  }
0x7f: {  	_ =	shalt  }
0x80: {  	_ =	shalt  }
0x81: {  	_ =	shalt  }
0x82: {  	_ =	shalt  }
0x83: {  	_ =	shalt  }
0x84: {  	_ =	shalt  }
0x85: {  	_ =	shalt  }
0x86: {  	_ =	shalt  }
0x87: {  	_ =	shalt  }
.Lfunc_end0:
.L_simem_size_0:
called_computation_lowered:
.L_overlay_start_0:
0x88: {  	s2 =	sld [smem:$0x3FD9]  }
0x89: {  	s3 =	sld [smem:$0x3FFE];
	_ =	sdelay $0x1  }
0x8a: {  	s1 =	srdreg.scid  }
0x8b: {  	s0 =	sand.u32 $0x1, s1  }
0x8c: {  	s17 =	sshll.u32 s0, $0xA;
	s2 =	sadd.s32 s3, s2  }
0x8d: {  	s2 =	sadd.s32 s2, s17  }
0x8e: {  	[smem:$0x3FBD] =	sst s2  }
0x8f: {  	_ = 	snop  }
0x90: {  	s2 =	sld [smem:$0x3FC9]  }
0x91: {  	s18 =	sld [smem:$0x3FD0];
	(tm) =	ssettm $0x1  }
0x92: {  	s4 =	sld [smem:$0x3FFB];
	_ =	sdelay $0x3  }
0x93: {  	_ =	strace s4  }
0x94: {  	s4 =	sld [smem:$0x3FFC];
	_ =	sdelay $0x3  }
0x95: {  	_ =	strace s4  }
0x96: {  	s4 =	sld [smem:$0x3FFD];
	_ =	sdelay $0x3  }
0x97: {  	_ =	strace s4  }
0x98: {  	_ =	strace $0x8FFFFFFF  }
0x99: {  	s19 =	sld [smem:$0x3FDB];
	_ =	sdelay $0x1  }
0x9a: {  	s5 =	simm.s32 $_scs_section_size  }
0x9b: {  	s6 =	simm.s32 $_size__tile_overlayer_lowered;
	s7 =	simm.s32 $_tile_overlayer_lowered  }
0x9c: {  	s22 =	simm.s32 $0x1BFF;
	s21 =	sshll.u32 s7, $0x1;
	s4 =	sadd.s32 s5, s19  }
0x9d: {  	s8 =	simm.s32 $0x0;
	s20 =	sshll.u32 s6, $0x1;
	s6 =	sadd.s32 s21, s4  }
0x9e: {  	[timem:s8], [sflag:s22] =	dma.local [hbm:s6], s20  }
0x9f: {  	_ =	swait.ge [sflag:s22], s20  }
0xa0: {  	s5 =	ssub.s32 $0x0, s20;
	[sflag:s22] =	ssyncset.done $0x0  }
0xa1: {  	[sflag:s22] =	ssyncadd.s32 s5;
	_ =	sdelay $0x1  }
0xa2: {  	s23 =	simm.s32 $0x1B8B  }
0xa3: {  	_ =	swait.ge [sflag:s23], $0x1  }
0xa4: {  	[sflag:s23] =	ssyncset.done $0x0  }
0xa5: {  	s25 =	simm.s32 $0x1B8E;
	s24 =	sld [smem:$0x3FFE];
	[sflag:s23] =	ssyncadd.s32 $0xFFFFFFFF  }
0xa6: {  	s26 =	simm.s32 $execute0_lowered;
	[smem:$0x3FD2] =	sst s25  }
0xa7: {  	s6 =	sshll.u32 s26, $0x1;
	_ =	strace $0x80000046;
	[dreg:$0x1] =	wrdreg $0xFFFFFFFF  }
0xa8: {  	s28 =	simm.s32 $_size_execute0_lowered;
	s4 =	sadd.s32 s4, s6;
	[dreg:$0x0] =	wrdreg $0x0  }
0xa9: {  	s6 =	sshll.u32 s28, $0x1;
	[dreg:$0x2] =	wrdreg s4  }
0xaa: {  	[dreg:$0x3] =	wrdreg s6  }
0xab: {  	[dreg:$0x4] =	wrdreg $0xC0  }
0xac: {  	_ =	task [dreg:s8], $0x5FFFF  }
0xad: {  	[dreg:$0x1] =	wrdreg $0xFFFFFFFF  }
0xae: {  	[dreg:$0x0] =	wrdreg $0x60  }
0xaf: {  	[dreg:$0x2] =	wrdreg s2  }
0xb0: {  	[dreg:$0x3] =	wrdreg s18  }
0xb1: {  	[dreg:$0x4] =	wrdreg s24  }
0xb2: {  	[dreg:$0x5] =	wrdreg $0x93000  }
0xb3: {  	[dreg:$0x6] =	wrdreg $0x1CF000  }
0xb4: {  	[dreg:$0x7] =	wrdreg $0x9  }
0xb5: {  	_ =	task.clear_ibuf [dreg:s8], $0x8FFFF;
	_ =	strace $0x90000046  }
0xb6: {  	s29 =	simm.s32 $0x9;
	_ =	strace $0x80000048  }
0xb7: {  	_ =	swait.ge [sflag:s29], $0x1  }
0xb8: {  	[sflag:s29] =	ssyncadd.s32 $0xFFFFFFFF  }
0xb9: {  	_ =	strace $0x90000048  }
0xba: {  	_ =	sfence  }
0xbb: {  	s30 =	sld [smem:$0x0];
	_ =	sdelay $0x2  }
0xbc: {  	s31 =	sshll.u32 s1, $0xD;
	s1 =	sshrl.u32 s1, $0x2  }
0xbd: {  	s3 =	sand.u32 $0x4000, s31;
	s1 =	sadd.s32 s1, s30  }
0xbe: {  	s0 =	sor.u32 s3, s0;
	s1 =	sshll.u32 s1, $0x11  }
0xbf: {  	s0 =	sor.u32 s1, s0  }
0xc0: {  	s0 =	sadd.s32 $0x8F2B, s0  }
0xc1: {  	[sflag:s0] =	ssyncadd.remote.s32 $0x1  }
0xc2: {  	_ =	sfence.sel $0xFFFF  }
0xc3: {  	[dreg:$0x0] =	wrdreg $0xFFFFFFFF;
	(pc) =	sbr.abs _section_cstart, $3  }
0xc4: {  	[dreg:$0x1] =	wrdreg $0xFFFFFFFF  }
0xc5: {  	_ =	task.clear_ibuf [dreg:s8], $0x2FFFF;
	_ =	strace $0x9FFFFFFF  }
0xc6: {  	(tm) =	ssettm $0x7FFFFFFF  }
0xc7: {  	_ =	shalt  }
tec
execute0_lowered:
.L_overlay_start_1:
0x0: {  	(tag) =	ssettag $0x1  }
0x1: {  	s0 =	rddreg [dreg:$0x0]  }
0x2: {  	s8 =	rddreg [dreg:$0x1]  }
0x3: {  	s9 =	rddreg [dreg:$0x2]  }
0x4: {  	s1 =	srdreg.scid;
	s3 =	rddreg [dreg:$0x3]  }
0x5: {  	s4 =	rddreg [dreg:$0x4];
	s10 =	sand.u32 $0x1, s1  }
0x6: {  	s1 =	stileid.u32;
	s6 =	smul.u32 $0x28000, s10  }
0x7: {  	s2 =	rddreg [dreg:$0x5];
	s7 =	smul.u32 $0x2800, s1  }
0x8: {  	s5 =	simm.s32 $0x0;
	s19 =	simm.s32 $0x80;
	s11 =	smul.u32 $0x13C000, s10  }
0x9: {  	s20 =	simm.s32 $0x5000;
	s21 =	simm.s32 $0x1;
	s12 =	smul.u32 $0x13C00, s1  }
0xa: {  	s22 =	simm.s32 $0x9000;
	s23 =	simm.s32 $0x2;
	s13 =	smul.u32 $0x278, s1  }
0xb: {  	s24 =	simm.s32 $0x0;
	[smem:$0x7FF] =	sst s5;
	s15 =	smul.u32 $0x2780, s10  }
0xc: {  	_ =	strace $0x80000047;
	s10 =	ssub.s32 $0x2, s10;
	s28 =	smul.u32 $0x4F000, s1  }
0xd: {  	s31 =	sshll.u32 s1, $0x6;
	s29 =	sshrl.u32 s10, $0x1;
	s6 =	sadd.s32 s7, s6  }
0xe: {  	s11 =	sadd.s32 s12, s11;
	s7 =	sadd.s32 $0xE800, s9;
	s26 =	sadd.s32 s13, s15  }
0xf: {  	s17 =	ssub.s32 s10, s29;
	s30 =	sshrl.u32 s28, $0x2;
	s10 =	sadd.s32 s13, s4  }
0x10: {  	s15 =	simm.s32 $0x2800;
	s14 =	sshrl.u32 s6, $0x3;
	s6 =	sadd.s32 $0xC000, s9  }
0x11: {  	s11 =	sshrl.u32 s11, $0x3;
	s12 =	sshrl.u32 s26, $0x3;
	s18 =	sadd.s32 s30, s3  }
0x12: {  	s13 =	smax.u32 s17, $0x1;
	s16 =	sadd.s32 s14, s9;
	s11 =	sadd.s32 s11, s9  }
0x13: {  	s12 =	sadd.s32 s12, s9;
	s8 =	sadd.s32 s8, s14;
	s14 =	simm.s32 $0x3  }
0x14: {  	s17 =	sshrl.u32 s18, $0x3;
	s18 =	simm.s32 $0x9080;
	s9 =	sadd.s32 $0x2000, s16  }
0x15: {  	v0 =	vimm.f32 $1.000000000e+00;
	s11 =	sadd.s32 $0xF400, s11;
	s12 =	sadd.s32 $0xEA00, s12;
	s16 =	sor.u32 $0x1C03, s31  }
.LBB2_1:
0x16: {  	[tilespmem:s5], [sflag:$0x3] =	stream.linear.gather [hbm4b:s8+s5], $0x2780, $0x38;
	[tilespmem:$0x1D178] =	vst v63  }
0x17: {  	_ =	swait.ge [sflag:s14], $0x2780  }
0x18: {  	[sflag:s14] =	ssyncset.done $0x0  }
0x19: {  	[sflag:s14] =	ssyncadd.s32 $0xFFFFD880  }
0x1a: {  	[tilespmem:s15], [sflag:$0x3] =	stream.linear.gather [hbm4b:s9+s5], $0x2780, $0x38;
	[tilespmem:$0x1D178] =	vst v63  }
0x1b: {  	_ =	swait.ge [sflag:s14], $0x2780  }
0x1c: {  	[sflag:s14] =	ssyncset.done $0x0  }
0x1d: {  	[sflag:s14] =	ssyncadd.s32 $0xFFFFD880  }
0x1e: {  	[spmem:s17], [sflag:s16] =	dma.local [hbm:s6], $0x2780  }
0x1f: {  	_ =	swait.ge [sflag:s14], $0x2780  }
0x20: {  	[sflag:s14] =	ssyncset.done $0x0  }
0x21: {  	[sflag:s14] =	ssyncadd.s32 $0xFFFFD880  }
0x22: {  	[tilespmem:s18], [sflag:$0x3] =	stream.linear.gather [hbm4b:s7+s5], $0x280, $0x38;
	[tilespmem:$0x1D178] =	vst v63  }
0x23: {  	_ =	swait.ge [sflag:s14], $0x280  }
0x24: {  	[sflag:s14] =	ssyncset.done $0x0  }
0x25: {  	[sflag:s14] =	ssyncadd.s32 $0xFFFFFD80  }
0x26: {  	[spmem:s10] =	stream.linear.scatter [tilespmem:s18], [sflag:$0x3], $0x278, $0x38;
	[tilespmem:$0x1D178] =	vst v63  }
0x27: {  	_ =	swait.ge [sflag:s14], $0x278  }
0x28: {  	[sflag:s14] =	ssyncset.done $0x0  }
0x29: {  	[sflag:s14] =	ssyncadd.s32 $0xFFFFFD88  }
0x2a: {  	[tilespmem:$0x9000] =	vst v0  }
0x2b: {  	[tilespmem:$0x9010] =	vst v0  }
0x2c: {  	[tilespmem:$0x9020] =	vst v0  }
0x2d: {  	[tilespmem:$0x9030] =	vst v0  }
0x2e: {  	[tilespmem:$0x9040] =	vst v0  }
0x2f: {  	[tilespmem:$0x9050] =	vst v0  }
0x30: {  	[tilespmem:$0x9060] =	vst v0  }
0x31: {  	[tilespmem:$0x9070] =	vst v0  }
0x32: {  	s25 =	simm.s32 $0x0;
	[bflag:$0x0] =	sbarrier.arrive $0xFFFF  }
0x33: {  	[tilespmem:s20], [sflag:$0x1] =	stream.indirect.gather [hbm4b:s0+s19], $0x80, s25, s19, $0xb8;
	[tilespmem:$0x1D178] =	vst v63  }
0x34: {  	_ =	swait.ge [sflag:s21], $0x4000  }
0x35: {  	[sflag:s21] =	ssyncset.done $0x0  }
0x36: {  	s31 =	simm.s32 $0x2800;
	[sflag:s21] =	ssyncadd.s32 $0xFFFFC000  }
0x37: {  	[spmem:s4] =	stream.indirect.scatter.add.f32 [tilespmem:s22], [sflag:$0x2], $0x1, s31, s19, $0xb8;
	[tilespmem:$0x1D178] =	vst v63  }
0x38: {  	_ = 	snop  }
0x39: {  	[spmem:s3] =	stream.indirect.scatter.add.f32 [tilespmem:s20], [sflag:$0x3], $0x80, s31, s19, $0xb8;
	[tilespmem:$0x1D178] =	vst v63  }
0x3a: {  	_ =	swait.ge [sflag:s14], $0x4000  }
0x3b: {  	s25 =	simm.s32 $0x200;
	[sflag:s14] =	ssyncset.done $0x0  }
.LBB2_2:
0x3c: {  	p0 =	sne.s32 s25, $0x9C00  }
0x3d: {  	[sflag:s14] =	ssyncadd.s32 $0xFFFFC000;
	s26 =	smov.u32 s25;
	s25 =	sadd.s32 $0x200, s25  }
0x3e: {  	s26 =	sshra.s32 s26, $0x2  }
0x3f: {  	[tilespmem:s20], [sflag:$0x1] =	stream.indirect.gather [hbm4b:s0+s19], $0x80, s26, s19, $0xb8;
	[tilespmem:$0x1D178] =	vst v63  }
0x40: {  	_ =	swait.ge [sflag:s21], $0x4000  }
0x41: {  	[sflag:s21] =	ssyncset.done $0x0  }
0x42: {  	s26 =	sadd.s32 $0x2800, s26;
	[sflag:s21] =	ssyncadd.s32 $0xFFFFC000  }
0x43: {  	[spmem:s4] =	stream.indirect.scatter.add.f32 [tilespmem:s22], [sflag:$0x2], $0x1, s26, s19, $0xb8;
	[tilespmem:$0x1D178] =	vst v63  }
.Ltmp0:
0x44: {  	_ = 	snop;
	(pc) =	sbr.rel @p0 .LBB2_2-.Ltmp0, $4  }
0x45: {  	_ = 	snop  }
0x46: {  	[spmem:s3] =	stream.indirect.scatter.add.f32 [tilespmem:s20], [sflag:$0x3], $0x80, s26, s19, $0xb8;
	[tilespmem:$0x1D178] =	vst v63  }
0x47: {  	_ =	swait.ge [sflag:s14], $0x4000  }
0x48: {  	[sflag:s14] =	ssyncset.done $0x0  }
0x49: {  	[sflag:s14] =	ssyncadd.s32 $0xFFFFC000  }
0x4a: {  	_ =	swait.ge [sflag:s23], $0x80  }
0x4b: {  	s25 =	simm.s32 $0x4E;
	[sflag:s23] =	ssyncset.done $0x0  }
.LBB2_4:
0x4c: {  	p0 =	sne.s32 s25, $0x1;
	s25 =	sadd.s32 $0xFFFFFFFF, s25;
	[sflag:s23] =	ssyncadd.s32 $0xFFFFFF80  }
.Ltmp1:
0x4d: {  	(pc) =	sbr.rel @p0 .LBB2_4-.Ltmp1, $3  }
0x4e: {  	_ =	sdelay $0x1  }
0x4f: {  	_ =	swait.ge [sflag:s23], $0x80  }
0x50: {  	[sflag:s23] =	ssyncset.done $0x0  }
0x51: {  	[sflag:s23] =	ssyncadd.s32 $0xFFFFFF80  }
0x52: {  	[bflag:$0x0] =	sbarrier.arrive $0xFFFF  }
0x53: {  	[hbm:s11], [sflag:s16] =	dma.local [spmem:s17], $0x2780  }
0x54: {  	_ =	swait.ge [sflag:s14], $0x2780  }
0x55: {  	[sflag:s14] =	ssyncset.done $0x0  }
0x56: {  	[sflag:s14] =	ssyncadd.s32 $0xFFFFD880  }
0x57: {  	[tilespmem:s18], [sflag:$0x3] =	stream.linear.gather [spmem:s10], $0x278, $0x38;
	[tilespmem:$0x1D178] =	vst v63  }
0x58: {  	s24 =	sadd.s32 $0x1, s24;
	_ =	swait.ge [sflag:s14], $0x278  }
0x59: {  	p0 =	sne.s32 s24, s13;
	[sflag:s14] =	ssyncset.done $0x0  }
.Ltmp2:
0x5a: {  	[sflag:s14] =	ssyncadd.s32 $0xFFFFFD88;
	(pc) =	sbr.rel @p0 .LBB2_1-.Ltmp2, $4  }
0x5b: {  	[hbm4b:s12+s5] =	stream.linear.scatter [tilespmem:s18], [sflag:$0x3], $0x278, $0x38;
	[tilespmem:$0x1D178] =	vst v63  }
0x5c: {  	_ =	swait.ge [sflag:s14], $0x278  }
0x5d: {  	[sflag:s14] =	ssyncset.done $0x0  }
0x5e: {  	[sflag:s14] =	ssyncadd.s32 $0xFFFFFD88  }
0x5f: {  	_ =	sfence.sel $0x180000  }
0x60: {  	[bflag:$0x0] =	sbarrier.arrive $0xFFFF  }
0x61: {  	p0 =	sne.s32 s1, $0x0;
	_ =	strace $0x90000047  }
0x62: {  	s0 =	sadd.s32 @!p0 $0x100000, s2;
	[bflag:$0x2] =	sbarrier.arrive $0xFFFF  }
0x63: {  	[sflag:s0] =	ssyncadd.tile.s32 @!p0 $0x1;
	_ =	shalt  }
.Lfunc_end2:
_tile_overlayer_lowered:
.L_overlay_start_2:
0x64: {  	(tag) =	ssettag $0x2  }
0x65: {  	s0 =	rddreg [dreg:$0x0];
	s2 =	stileid.u32  }
0x66: {  	s1 =	rddreg [dreg:$0x1];
	p0 =	sne.s32 s2, $0x0  }
0x67: {  	s3 =	rddreg [dreg:$0x2];
	[bflag:$0x3] =	sbarrier.arrive $0xFFFF;
	s2 =	simm.s32 @!p0 $0x1C03  }
0x68: {  	[timem:s3], [sflag:s2] =	dma.local @!p0 [hbm:s0], s1  }
0x69: {  	s0 =	simm.s32 @!p0 $0x3  }
0x6a: {  	_ =	swait.ge @!p0 [sflag:s0], s1  }
0x6b: {  	s1 =	ssub.s32 @!p0 $0x0, s1;
	[sflag:s0] =	ssyncset.done @!p0 $0x0  }
0x6c: {  	[sflag:s0] =	ssyncadd.s32 @!p0 s1  }
0x6d: {  	[bflag:$0x3] =	sbarrier.arrive $0xFFFF  }
0x6e: {  	_ =	shalt  }

// kernel: kernel.9.cloned.1.call-start
scs
__scs_entry_jumppad:
0x0: {  	(pc) =	sbr.rel $0x88, $3  }
0x1: {  	(tag) =	ssettag $0x0;
	lr =	simm.s32 $0x1  }
0x2: {  	[smem:$0x3F96] =	sst lr;
	_ =	strace $0xD0000000  }
0x3: {  	_ = 	snop  }
0x4: {  	_ = 	snop  }
0x5: {  	_ = 	snop  }
0x6: {  	_ = 	snop  }
0x7: {  	_ = 	snop  }
__scs_overlays_trampoline_lowered:
0x8: {  	[smem:$0x3FA5] =	sst s0  }
0x9: {  	[smem:$0x3FA6] =	sst s1  }
0xa: {  	[smem:$0x3FA7] =	sst s2  }
0xb: {  	[smem:$0x3FA8] =	sst s3  }
0xc: {  	[smem:$0x3FA9] =	sst s4  }
0xd: {  	[smem:$0x3FAA] =	sst s5  }
0xe: {  	[smem:$0x3FAB] =	sst s6  }
0xf: {  	[smem:$0x3FAC] =	sst s7  }
0x10: {  	[smem:$0x3FAD] =	sst s8  }
0x11: {  	[smem:$0x3FAE] =	sst s9;
	s0 =	simm.s32 @!p0 $0x0  }
0x12: {  	s1 =	sld [smem:$0x3F94];
	s0 =	simm.s32 @p0 $0x1  }
0x13: {  	[smem:$0x3FAF] =	sst s0;
	s0 =	simm.s32 @!p1 $0x0  }
0x14: {  	s2 =	sld [smem:$0x3F93];
	s0 =	simm.s32 @p1 $0x1  }
0x15: {  	[smem:$0x3FB0] =	sst s0;
	s0 =	simm.s32 @!p2 $0x0  }
0x16: {  	s3 =	sld [smem:$0x3FDB];
	s0 =	simm.s32 @p2 $0x1  }
0x17: {  	s4 =	simm.s32 $0x1BF5;
	[smem:$0x3FB2] =	sst s0  }
0x18: {  	s0 =	sld [smem:$0x3F95];
	_ =	swait.ge [sflag:s4], $0x0  }
0x19: {  	s7 =	sld [smem:$0x3F96]  }
0x1a: {  	s8 =	sadd.s32 $0xFFFFE003, lr  }
0x1b: {  	s9 =	sadd.s32 $0xFFFFFEF7, lr;
	s5 =	simm.s32 $0xFFFFFFFF;
	p2 =	slt.u32 s8, $0xFFFFF086  }
0x1c: {  	p1 =	slt.u32 s9, $0xF7A;
	s5 =	simm.s32 @!p2 $0x0  }
0x1d: {  	s5 =	simm.s32 @p1 $0x1;
	p0 =	seq.s32 s7, s2  }
0x1e: {  	s7 =	smul.u32 @!p0 $0xF7A, s2;
	p2 =	seq.s32 @!p0 s5, $0x0  }
0x1f: {  	s9 =	smul.u32 $0xF7A, s1;
	s8 =	simm.s32 @!p0 $0x1BF5;
	p2 =	por !p2, p0  }
0x20: {  	[sflag:s8] =	ssyncset.s32 @!p0 $0xFFFFF086;
	s6 =	sadd.s32 @!p0 s3, s7;
	s7 =	simm.s32 @!p0 $0x108  }
0x21: {  	s3 =	sadd.s32 s3, s9;
	s6 =	sadd.s32 @!p0 $0x88, s6;
	s7 =	simm.s32 @p2 $0x1082  }
0x22: {  	[simem:s7], [sflag:s8] =	dma.local @!p0 [hbm:s6], $0xF7A  }
0x23: {  	s9 =	sor.u32 $0xD0000000, s2;
	s6 =	simm.s32 $0x108;
	_ =	swait.ge @!p0 [sflag:s8], $0x0  }
0x24: {  	s3 =	sadd.s32 $0x88, s3;
	s6 =	simm.s32 @!p1 $0x1082;
	[sflag:s4] =	ssyncset.s32 $0xFFFFF086  }
0x25: {  	[simem:s6], [sflag:s4] =	dma.local [hbm:s3], $0xF7A  }
0x26: {  	[smem:$0x3F96] =	sst s1;
	(tag) =	ssettag s2;
	_ =	strace s9  }
0x27: {  	s1 =	sld [smem:$0x3FA6]  }
0x28: {  	s2 =	sld [smem:$0x3FA7]  }
0x29: {  	s4 =	sld [smem:$0x3FA9]  }
0x2a: {  	p0 =	seq.s32 s5, $0x0;
	s5 =	sld [smem:$0x3FAA]  }
0x2b: {  	s6 =	sld [smem:$0x3FAB]  }
0x2c: {  	s7 =	sld [smem:$0x3FAC]  }
0x2d: {  	s3 =	simm.s32 $0x108;
	s8 =	sld [smem:$0x3FAD]  }
0x2e: {  	s3 =	simm.s32 @!p0 $0x1082;
	s9 =	sld [smem:$0x3FAE]  }
0x2f: {  	lr =	sadd.s32 s0, s3;
	s0 =	sld [smem:$0x3FA5]  }
0x30: {  	s3 =	sld [smem:$0x3FA8]  }
0x31: {  	[smem:$0x3FB1] =	sst s10  }
0x32: {  	s10 =	sld [smem:$0x3FAF];
	_ =	sdelay $0x3  }
0x33: {  	p0 =	seq.s32 s10, $0x1;
	s10 =	sld [smem:$0x3FB1];
	_ =	sdelay $0x3  }
0x34: {  	[smem:$0x3FB1] =	sst s10  }
0x35: {  	s10 =	sld [smem:$0x3FB0];
	_ =	sdelay $0x3  }
0x36: {  	p1 =	seq.s32 s10, $0x1;
	s10 =	sld [smem:$0x3FB1];
	_ =	sdelay $0x3  }
0x37: {  	[smem:$0x3FB1] =	sst s10  }
0x38: {  	s10 =	sld [smem:$0x3FB2]  }
0x39: {  	_ = 	snop;
	(pc) =	sbr.ind lr, $3  }
0x3a: {  	_ = 	snop  }
0x3b: {  	_ = 	snop  }
0x3c: {  	p2 =	seq.s32 s10, $0x1;
	s10 =	sld [smem:$0x3FB1]  }
0x3d: {  	_ =	shalt  }
0x3e: {  	_ =	shalt  }
0x3f: {  	_ =	shalt  }
0x40: {  	_ =	shalt  }
0x41: {  	_ =	shalt  }
0x42: {  	_ =	shalt  }
0x43: {  	_ =	shalt  }
0x44: {  	_ =	shalt  }
0x45: {  	_ =	shalt  }
0x46: {  	_ =	shalt  }
0x47: {  	_ =	shalt  }
0x48: {  	_ =	shalt  }
0x49: {  	_ =	shalt  }
0x4a: {  	_ =	shalt  }
0x4b: {  	_ =	shalt  }
0x4c: {  	_ =	shalt  }
0x4d: {  	_ =	shalt  }
0x4e: {  	_ =	shalt  }
0x4f: {  	_ =	shalt  }
0x50: {  	_ =	shalt  }
0x51: {  	_ =	shalt  }
0x52: {  	_ =	shalt  }
0x53: {  	_ =	shalt  }
0x54: {  	_ =	shalt  }
0x55: {  	_ =	shalt  }
0x56: {  	_ =	shalt  }
0x57: {  	_ =	shalt  }
0x58: {  	_ =	shalt  }
0x59: {  	_ =	shalt  }
0x5a: {  	_ =	shalt  }
0x5b: {  	_ =	shalt  }
0x5c: {  	_ =	shalt  }
0x5d: {  	_ =	shalt  }
0x5e: {  	_ =	shalt  }
0x5f: {  	_ =	shalt  }
0x60: {  	_ =	shalt  }
0x61: {  	_ =	shalt  }
0x62: {  	_ =	shalt  }
0x63: {  	_ =	shalt  }
0x64: {  	_ =	shalt  }
0x65: {  	_ =	shalt  }
0x66: {  	_ =	shalt  }
0x67: {  	_ =	shalt  }
0x68: {  	_ =	shalt  }
0x69: {  	_ =	shalt  }
0x6a: {  	_ =	shalt  }
0x6b: {  	_ =	shalt  }
0x6c: {  	_ =	shalt  }
0x6d: {  	_ =	shalt  }
0x6e: {  	_ =	shalt  }
0x6f: {  	_ =	shalt  }
0x70: {  	_ =	shalt  }
0x71: {  	_ =	shalt  }
0x72: {  	_ =	shalt  }
0x73: {  	_ =	shalt  }
0x74: {  	_ =	shalt  }
0x75: {  	_ =	shalt  }
0x76: {  	_ =	shalt  }
0x77: {  	_ =	shalt  }
0x78: {  	_ =	shalt  }
0x79: {  	_ =	shalt  }
0x7a: {  	_ =	shalt  }
0x7b: {  	_ =	shalt  }
0x7c: {  	_ =	shalt  }
0x7d: {  	_ =	shalt  }
0x7e: {  	_ =	shalt  }
0x7f: {  	_ =	shalt  }
0x80: {  	_ =	shalt  }
0x81: {  	_ =	shalt  }
0x82: {  	_ =	shalt  }
0x83: {  	_ =	shalt  }
0x84: {  	_ =	shalt  }
0x85: {  	_ =	shalt  }
0x86: {  	_ =	shalt  }
0x87: {  	_ =	shalt  }
.Lfunc_end0:
.L_simem_size_0:
called_computation.1_lowered:
.L_overlay_start_0:
0x88: {  	s2 =	sld [smem:$0x3FD9]  }
0x89: {  	s3 =	sld [smem:$0x3FFE];
	_ =	sdelay $0x1  }
0x8a: {  	s1 =	srdreg.scid  }
0x8b: {  	s0 =	sand.u32 $0x1, s1  }
0x8c: {  	s17 =	sshll.u32 s0, $0xA;
	s2 =	sadd.s32 s3, s2  }
0x8d: {  	s2 =	sadd.s32 s2, s17  }
0x8e: {  	[smem:$0x3FBD] =	sst s2  }
0x8f: {  	_ = 	snop  }
0x90: {  	s2 =	sld [smem:$0x3FD0];
	(tm) =	ssettm $0x1  }
0x91: {  	s18 =	sld [smem:$0x3FFB];
	_ =	sdelay $0x3  }
0x92: {  	_ =	strace s18  }
0x93: {  	s3 =	sld [smem:$0x3FFC];
	_ =	sdelay $0x3  }
0x94: {  	_ =	strace s3  }
0x95: {  	s3 =	sld [smem:$0x3FFD];
	_ =	sdelay $0x3  }
0x96: {  	_ =	strace s3  }
0x97: {  	_ =	strace $0x8FFFFFFF  }
0x98: {  	s19 =	sld [smem:$0x3FDB];
	_ =	sdelay $0x1  }
0x99: {  	s4 =	simm.s32 $_scs_section_size  }
0x9a: {  	s5 =	simm.s32 $_size__tile_overlayer_lowered;
	s6 =	simm.s32 $_tile_overlayer_lowered  }
0x9b: {  	s22 =	simm.s32 $0x1BFF;
	s21 =	sshll.u32 s6, $0x1;
	s3 =	sadd.s32 s4, s19  }
0x9c: {  	s7 =	simm.s32 $0x0;
	s20 =	sshll.u32 s5, $0x1;
	s5 =	sadd.s32 s21, s3  }
0x9d: {  	[timem:s7], [sflag:s22] =	dma.local [hbm:s5], s20  }
0x9e: {  	_ =	swait.ge [sflag:s22], s20  }
0x9f: {  	s4 =	ssub.s32 $0x0, s20;
	[sflag:s22] =	ssyncset.done $0x0  }
0xa0: {  	[sflag:s22] =	ssyncadd.s32 s4;
	_ =	sdelay $0x1  }
0xa1: {  	s23 =	simm.s32 $0x1B8B  }
0xa2: {  	_ =	swait.ge [sflag:s23], $0x1  }
0xa3: {  	[sflag:s23] =	ssyncset.done $0x0  }
0xa4: {  	s25 =	simm.s32 $0x1B8E;
	s24 =	sld [smem:$0x3FFE];
	[sflag:s23] =	ssyncadd.s32 $0xFFFFFFFF  }
0xa5: {  	s26 =	simm.s32 $execute0_lowered;
	[smem:$0x3FD2] =	sst s25  }
0xa6: {  	s5 =	sshll.u32 s26, $0x1;
	_ =	strace $0x80000049;
	[dreg:$0x1] =	wrdreg $0xFFFFFFFF  }
0xa7: {  	s28 =	simm.s32 $_size_execute0_lowered;
	s3 =	sadd.s32 s3, s5;
	[dreg:$0x0] =	wrdreg $0x0  }
0xa8: {  	s5 =	sshll.u32 s28, $0x1;
	[dreg:$0x2] =	wrdreg s3  }
0xa9: {  	[dreg:$0x3] =	wrdreg s5  }
0xaa: {  	[dreg:$0x4] =	wrdreg $0xC0  }
0xab: {  	_ =	task [dreg:s7], $0x5FFFF  }
0xac: {  	[dreg:$0x1] =	wrdreg $0xFFFFFFFF  }
0xad: {  	[dreg:$0x0] =	wrdreg $0x60  }
0xae: {  	[dreg:$0x2] =	wrdreg s24  }
0xaf: {  	[dreg:$0x3] =	wrdreg s2  }
0xb0: {  	[dreg:$0x4] =	wrdreg $0x93000  }
0xb1: {  	[dreg:$0x5] =	wrdreg $0x1CF000  }
0xb2: {  	[dreg:$0x6] =	wrdreg $0x9  }
0xb3: {  	_ =	task.clear_ibuf [dreg:s7], $0x7FFFF;
	_ =	strace $0x90000049  }
0xb4: {  	s29 =	simm.s32 $0x9;
	_ =	strace $0x8000004B  }
0xb5: {  	_ =	swait.ge [sflag:s29], $0x1  }
0xb6: {  	[sflag:s29] =	ssyncadd.s32 $0xFFFFFFFF  }
0xb7: {  	_ =	strace $0x9000004B  }
0xb8: {  	_ =	sfence  }
0xb9: {  	s30 =	sld [smem:$0x0];
	_ =	sdelay $0x2  }
0xba: {  	s31 =	sshll.u32 s1, $0xD;
	s1 =	sshrl.u32 s1, $0x2  }
0xbb: {  	s3 =	sand.u32 $0x4000, s31;
	s1 =	sadd.s32 s1, s30  }
0xbc: {  	s0 =	sor.u32 s3, s0;
	s1 =	sshll.u32 s1, $0x11  }
0xbd: {  	s0 =	sor.u32 s1, s0  }
0xbe: {  	s0 =	sadd.s32 $0x8F2B, s0  }
0xbf: {  	[sflag:s0] =	ssyncadd.remote.s32 $0x1  }
0xc0: {  	_ =	sfence.sel $0xFFFF  }
0xc1: {  	[dreg:$0x0] =	wrdreg $0xFFFFFFFF;
	(pc) =	sbr.abs _section_cstart, $3  }
0xc2: {  	[dreg:$0x1] =	wrdreg $0xFFFFFFFF  }
0xc3: {  	_ =	task.clear_ibuf [dreg:s7], $0x2FFFF;
	_ =	strace $0x9FFFFFFF  }
0xc4: {  	(tm) =	ssettm $0x7FFFFFFF  }
0xc5: {  	_ =	shalt  }
tec
execute0_lowered:
.L_overlay_start_1:
0x0: {  	(tag) =	ssettag $0x1  }
0x1: {  	s8 =	rddreg [dreg:$0x0]  }
0x2: {  	s12 =	rddreg [dreg:$0x1]  }
0x3: {  	s2 =	rddreg [dreg:$0x2]  }
0x4: {  	s0 =	srdreg.scid;
	s3 =	rddreg [dreg:$0x3]  }
0x5: {  	s1 =	rddreg [dreg:$0x4];
	s9 =	sand.u32 $0x1, s0  }
0x6: {  	s4 =	simm.s32 $0x0;
	s0 =	stileid.u32;
	s5 =	smul.u32 $0x28000, s9  }
0x7: {  	s19 =	simm.s32 $0x80;
	s20 =	simm.s32 $0x5000;
	s6 =	smul.u32 $0x2800, s0  }
0x8: {  	s21 =	simm.s32 $0x1;
	s22 =	simm.s32 $0x9000;
	s10 =	smul.u32 $0x13C000, s9  }
0x9: {  	s23 =	simm.s32 $0x2;
	s24 =	simm.s32 $0x0;
	s13 =	smul.u32 $0x13C00, s0  }
0xa: {  	[smem:$0x7FF] =	sst s4;
	s7 =	sadd.s32 $0xE800, s8;
	s14 =	smul.u32 $0x278, s0  }
0xb: {  	_ =	strace $0x8000004A;
	s25 =	ssub.s32 $0x2, s9;
	s15 =	smul.u32 $0x4F000, s0  }
0xc: {  	s17 =	smul.u32 $0x2780, s9;
	s31 =	sshll.u32 s0, $0x6;
	s16 =	sshrl.u32 s25, $0x1  }
0xd: {  	s5 =	sadd.s32 s6, s5;
	s10 =	sadd.s32 s13, s10;
	s13 =	ssub.s32 s25, s16  }
0xe: {  	s26 =	sshrl.u32 s15, $0x2;
	s28 =	sadd.s32 s14, s17;
	s15 =	simm.s32 $0x2800  }
0xf: {  	s16 =	sor.u32 $0x1C03, s31;
	s6 =	sshrl.u32 s5, $0x3;
	s5 =	sadd.s32 $0xEA00, s8  }
0x10: {  	s10 =	sshrl.u32 s10, $0x3;
	s29 =	sadd.s32 s26, s2;
	s30 =	sshrl.u32 s28, $0x3  }
0x11: {  	s13 =	smax.u32 s13, $0x1;
	s11 =	sadd.s32 s6, s8;
	s6 =	sadd.s32 $0xC000, s8  }
0x12: {  	s18 =	sadd.s32 s10, s8;
	s10 =	sadd.s32 s14, s3;
	s12 =	sadd.s32 s12, s30  }
0x13: {  	s14 =	simm.s32 $0x3;
	s17 =	sshrl.u32 s29, $0x3;
	s8 =	sadd.s32 $0x5E400, s11  }
0x14: {  	v0 =	vimm.f32 $1.000000000e+00;
	s9 =	sadd.s32 $0x68400, s11;
	s11 =	sadd.s32 $0x72400, s18;
	s18 =	simm.s32 $0x9080  }
.LBB2_1:
0x15: {  	[tilespmem:s4], [sflag:$0x3] =	stream.linear.gather [hbm4b:s8+s4], $0x2780, $0x38;
	[tilespmem:$0x1D178] =	vst v63  }
0x16: {  	_ =	swait.ge [sflag:s14], $0x2780  }
0x17: {  	[sflag:s14] =	ssyncset.done $0x0  }
0x18: {  	[sflag:s14] =	ssyncadd.s32 $0xFFFFD880  }
0x19: {  	[tilespmem:s15], [sflag:$0x3] =	stream.linear.gather [hbm4b:s9+s4], $0x2780, $0x38;
	[tilespmem:$0x1D178] =	vst v63  }
0x1a: {  	_ =	swait.ge [sflag:s14], $0x2780  }
0x1b: {  	[sflag:s14] =	ssyncset.done $0x0  }
0x1c: {  	[sflag:s14] =	ssyncadd.s32 $0xFFFFD880  }
0x1d: {  	[spmem:s17], [sflag:s16] =	dma.local [hbm:s6], $0x2780  }
0x1e: {  	_ =	swait.ge [sflag:s14], $0x2780  }
0x1f: {  	[sflag:s14] =	ssyncset.done $0x0  }
0x20: {  	[sflag:s14] =	ssyncadd.s32 $0xFFFFD880  }
0x21: {  	[tilespmem:s18], [sflag:$0x3] =	stream.linear.gather [hbm4b:s7+s4], $0x280, $0x38;
	[tilespmem:$0x1D178] =	vst v63  }
0x22: {  	_ =	swait.ge [sflag:s14], $0x280  }
0x23: {  	[sflag:s14] =	ssyncset.done $0x0  }
0x24: {  	[sflag:s14] =	ssyncadd.s32 $0xFFFFFD80  }
0x25: {  	[spmem:s10] =	stream.linear.scatter [tilespmem:s18], [sflag:$0x3], $0x278, $0x38;
	[tilespmem:$0x1D178] =	vst v63  }
0x26: {  	_ =	swait.ge [sflag:s14], $0x278  }
0x27: {  	[sflag:s14] =	ssyncset.done $0x0  }
0x28: {  	[sflag:s14] =	ssyncadd.s32 $0xFFFFFD88  }
0x29: {  	[tilespmem:$0x9000] =	vst v0  }
0x2a: {  	[tilespmem:$0x9010] =	vst v0  }
0x2b: {  	[tilespmem:$0x9020] =	vst v0  }
0x2c: {  	[tilespmem:$0x9030] =	vst v0  }
0x2d: {  	[tilespmem:$0x9040] =	vst v0  }
0x2e: {  	[tilespmem:$0x9050] =	vst v0  }
0x2f: {  	[tilespmem:$0x9060] =	vst v0  }
0x30: {  	[tilespmem:$0x9070] =	vst v0  }
0x31: {  	s25 =	simm.s32 $0x0;
	[bflag:$0x0] =	sbarrier.arrive $0xFFFF  }
0x32: {  	[tilespmem:s20], [sflag:$0x1] =	stream.indirect.gather [hbm4b:s5+s19], $0x80, s25, s19, $0xb8;
	[tilespmem:$0x1D178] =	vst v63  }
0x33: {  	_ =	swait.ge [sflag:s21], $0x4000  }
0x34: {  	[sflag:s21] =	ssyncset.done $0x0  }
0x35: {  	s31 =	simm.s32 $0x2800;
	[sflag:s21] =	ssyncadd.s32 $0xFFFFC000  }
0x36: {  	[spmem:s3] =	stream.indirect.scatter.add.f32 [tilespmem:s22], [sflag:$0x2], $0x1, s31, s19, $0xb8;
	[tilespmem:$0x1D178] =	vst v63  }
0x37: {  	_ = 	snop  }
0x38: {  	[spmem:s2] =	stream.indirect.scatter.add.f32 [tilespmem:s20], [sflag:$0x3], $0x80, s31, s19, $0xb8;
	[tilespmem:$0x1D178] =	vst v63  }
0x39: {  	_ =	swait.ge [sflag:s14], $0x4000  }
0x3a: {  	s25 =	simm.s32 $0x200;
	[sflag:s14] =	ssyncset.done $0x0  }
.LBB2_2:
0x3b: {  	p0 =	sne.s32 s25, $0x9C00  }
0x3c: {  	[sflag:s14] =	ssyncadd.s32 $0xFFFFC000;
	s26 =	smov.u32 s25;
	s25 =	sadd.s32 $0x200, s25  }
0x3d: {  	s26 =	sshra.s32 s26, $0x2  }
0x3e: {  	[tilespmem:s20], [sflag:$0x1] =	stream.indirect.gather [hbm4b:s5+s19], $0x80, s26, s19, $0xb8;
	[tilespmem:$0x1D178] =	vst v63  }
0x3f: {  	_ =	swait.ge [sflag:s21], $0x4000  }
0x40: {  	[sflag:s21] =	ssyncset.done $0x0  }
0x41: {  	s26 =	sadd.s32 $0x2800, s26;
	[sflag:s21] =	ssyncadd.s32 $0xFFFFC000  }
0x42: {  	[spmem:s3] =	stream.indirect.scatter.add.f32 [tilespmem:s22], [sflag:$0x2], $0x1, s26, s19, $0xb8;
	[tilespmem:$0x1D178] =	vst v63  }
.Ltmp0:
0x43: {  	_ = 	snop;
	(pc) =	sbr.rel @p0 .LBB2_2-.Ltmp0, $4  }
0x44: {  	_ = 	snop  }
0x45: {  	[spmem:s2] =	stream.indirect.scatter.add.f32 [tilespmem:s20], [sflag:$0x3], $0x80, s26, s19, $0xb8;
	[tilespmem:$0x1D178] =	vst v63  }
0x46: {  	_ =	swait.ge [sflag:s14], $0x4000  }
0x47: {  	[sflag:s14] =	ssyncset.done $0x0  }
0x48: {  	[sflag:s14] =	ssyncadd.s32 $0xFFFFC000  }
0x49: {  	_ =	swait.ge [sflag:s23], $0x80  }
0x4a: {  	s25 =	simm.s32 $0x4E;
	[sflag:s23] =	ssyncset.done $0x0  }
.LBB2_4:
0x4b: {  	p0 =	sne.s32 s25, $0x1;
	s25 =	sadd.s32 $0xFFFFFFFF, s25;
	[sflag:s23] =	ssyncadd.s32 $0xFFFFFF80  }
.Ltmp1:
0x4c: {  	(pc) =	sbr.rel @p0 .LBB2_4-.Ltmp1, $3  }
0x4d: {  	_ =	sdelay $0x1  }
0x4e: {  	_ =	swait.ge [sflag:s23], $0x80  }
0x4f: {  	[sflag:s23] =	ssyncset.done $0x0  }
0x50: {  	[sflag:s23] =	ssyncadd.s32 $0xFFFFFF80  }
0x51: {  	[bflag:$0x0] =	sbarrier.arrive $0xFFFF  }
0x52: {  	[hbm:s11], [sflag:s16] =	dma.local [spmem:s17], $0x2780  }
0x53: {  	_ =	swait.ge [sflag:s14], $0x2780  }
0x54: {  	[sflag:s14] =	ssyncset.done $0x0  }
0x55: {  	[sflag:s14] =	ssyncadd.s32 $0xFFFFD880  }
0x56: {  	[tilespmem:s18], [sflag:$0x3] =	stream.linear.gather [spmem:s10], $0x278, $0x38;
	[tilespmem:$0x1D178] =	vst v63  }
0x57: {  	s24 =	sadd.s32 $0x1, s24;
	_ =	swait.ge [sflag:s14], $0x278  }
0x58: {  	p0 =	sne.s32 s24, s13;
	[sflag:s14] =	ssyncset.done $0x0  }
.Ltmp2:
0x59: {  	[sflag:s14] =	ssyncadd.s32 $0xFFFFFD88;
	(pc) =	sbr.rel @p0 .LBB2_1-.Ltmp2, $4  }
0x5a: {  	[hbm4b:s12+s4] =	stream.linear.scatter [tilespmem:s18], [sflag:$0x3], $0x278, $0x38;
	[tilespmem:$0x1D178] =	vst v63  }
0x5b: {  	_ =	swait.ge [sflag:s14], $0x278  }
0x5c: {  	[sflag:s14] =	ssyncset.done $0x0  }
0x5d: {  	[sflag:s14] =	ssyncadd.s32 $0xFFFFFD88  }
0x5e: {  	_ =	sfence.sel $0x180000  }
0x5f: {  	[bflag:$0x0] =	sbarrier.arrive $0xFFFF  }
0x60: {  	p0 =	sne.s32 s0, $0x0;
	_ =	strace $0x9000004A  }
0x61: {  	s0 =	sadd.s32 @!p0 $0x100000, s1;
	[bflag:$0x2] =	sbarrier.arrive $0xFFFF  }
0x62: {  	[sflag:s0] =	ssyncadd.tile.s32 @!p0 $0x1;
	_ =	shalt  }
.Lfunc_end2:
_tile_overlayer_lowered:
.L_overlay_start_2:
0x63: {  	(tag) =	ssettag $0x2  }
0x64: {  	s0 =	rddreg [dreg:$0x0];
	s2 =	stileid.u32  }
0x65: {  	s1 =	rddreg [dreg:$0x1];
	p0 =	sne.s32 s2, $0x0  }
0x66: {  	s3 =	rddreg [dreg:$0x2];
	[bflag:$0x3] =	sbarrier.arrive $0xFFFF;
	s2 =	simm.s32 @!p0 $0x1C03  }
0x67: {  	[timem:s3], [sflag:s2] =	dma.local @!p0 [hbm:s0], s1  }
0x68: {  	s0 =	simm.s32 @!p0 $0x3  }
0x69: {  	_ =	swait.ge @!p0 [sflag:s0], s1  }
0x6a: {  	s1 =	ssub.s32 @!p0 $0x0, s1;
	[sflag:s0] =	ssyncset.done @!p0 $0x0  }
0x6b: {  	[sflag:s0] =	ssyncadd.s32 @!p0 s1  }
0x6c: {  	[bflag:$0x3] =	sbarrier.arrive $0xFFFF  }
0x6d: {  	_ =	shalt  }

</sc_bundles>
